<compile_context>
chip_gen: v7x
topology: tpu7x:2x2x1
jax: 0.10.2.dev20260603
libtpu: 0.0.44.dev20260713+nightly
codegen_flags: <defaults>
</compile_context>

<pallas_src>
import functools

import jax
import jax.numpy as jnp
from jax import lax
from jax.experimental import pallas as pl
from jax.experimental.pallas import tpu as pltpu
from jax.experimental.pallas import tpu_sc as plsc

B = 4096
L = 50
N = B * L
D_NEWS = 256
D_EMB = 64
D_OUT = D_NEWS + 2 * D_EMB
CAT_NUM = 1000

NC = 2
NS = 16
NW = NC * NS
ROWS_PER_W = N // NW
CHUNK = 128
NCHUNK = ROWS_PER_W // CHUNK
NBUF = 2


def _sc_body(news_hbm, idx_hbm, comb_tab_hbm, out_hbm,
             idx_v, news0_v, news1_v, emb0_v, emb1_v, tab_sh,
             n0, n1, g0, g1, o0, o1, p0, p1):
    sid = lax.axis_index("s")
    wid = sid * NC + lax.axis_index("c")
    base = wid * ROWS_PER_W

    news = (news0_v, news1_v)
    embs = (emb0_v, emb1_v)
    nsems = (n0, n1)
    gsems = (g0, g1)
    osems = (o0, o1)
    psems = (p0, p1)

    @pl.when(sid == 0)
    def _():
        pltpu.sync_copy(comb_tab_hbm, tab_sh)

    pltpu.sync_copy(idx_hbm.at[wid], idx_v)
    plsc.subcore_barrier()

    def fire(c, b):
        r0 = base + c * CHUNK
        pltpu.make_async_copy(
            news_hbm.at[pl.ds(r0, CHUNK), :], news[b], nsems[b]).start()
        pltpu.make_async_copy(
            tab_sh.at[idx_v.at[2 * c]], embs[b], gsems[b]).start()

    for b in range(NBUF):
        fire(b, b)

    def step(t, carry):
        for b in range(NBUF):
            c = NBUF * t + b
            r0 = base + c * CHUNK
            pltpu.make_async_copy(
                tab_sh.at[idx_v.at[2 * c]], embs[b], gsems[b]).wait()
            pltpu.async_copy(
                tab_sh.at[idx_v.at[2 * c + 1]], embs[b], gsems[b],
                add=True).wait()
            pltpu.make_async_copy(
                embs[b],
                out_hbm.at[pl.ds(r0, CHUNK), pl.ds(D_NEWS, 2 * D_EMB)],
                osems[b]).start()
            pltpu.make_async_copy(
                news_hbm.at[pl.ds(r0, CHUNK), :], news[b], nsems[b]).wait()
            pltpu.make_async_copy(
                news[b], out_hbm.at[pl.ds(r0, CHUNK), pl.ds(0, D_NEWS)],
                psems[b]).start()
        for b in range(NBUF):
            c2 = NBUF * t + NBUF + b

            @pl.when(c2 < NCHUNK)
            def _():
                r1 = base + (c2 - NBUF) * CHUNK
                pltpu.make_async_copy(
                    embs[b],
                    out_hbm.at[pl.ds(r1, CHUNK), pl.ds(D_NEWS, 2 * D_EMB)],
                    osems[b]).wait()
                pltpu.make_async_copy(
                    news[b],
                    out_hbm.at[pl.ds(r1, CHUNK), pl.ds(0, D_NEWS)],
                    psems[b]).wait()
                fire(c2, b)

        return carry

    lax.fori_loop(0, NCHUNK // NBUF, step, 0)

    for b in range(NBUF):
        c = NCHUNK - NBUF + b
        r1 = base + c * CHUNK
        pltpu.make_async_copy(
            embs[b], out_hbm.at[pl.ds(r1, CHUNK), pl.ds(D_NEWS, 2 * D_EMB)],
            osems[b]).wait()
        pltpu.make_async_copy(
            news[b], out_hbm.at[pl.ds(r1, CHUNK), pl.ds(0, D_NEWS)],
            psems[b]).wait()


@functools.partial(jax.jit, static_argnames=())
def kernel(news_representation, category, subCategory, category_table,
           subCategory_table):
    news2d = news_representation.reshape(N, D_NEWS)
    comb_tab = jnp.concatenate(
        [jnp.pad(category_table, ((0, 0), (0, D_EMB))),
         jnp.pad(subCategory_table, ((0, 0), (D_EMB, 0)))], axis=0)
    cat_idx = category.astype(jnp.int32).reshape(NW, NCHUNK, CHUNK)
    sub_idx = subCategory.astype(jnp.int32).reshape(NW, NCHUNK, CHUNK) + CAT_NUM
    idx = jnp.stack([cat_idx, sub_idx], axis=2).reshape(
        NW, 2 * NCHUNK, CHUNK)

    mesh = plsc.VectorSubcoreMesh(
        core_axis_name="c", subcore_axis_name="s",
        num_cores=NC, num_subcores=NS)

    out = pl.kernel(
        _sc_body,
        out_type=jax.ShapeDtypeStruct((N, D_OUT), jnp.float32),
        mesh=mesh,
        scratch_types=[
            pltpu.VMEM((2 * NCHUNK, CHUNK), jnp.int32),
            pltpu.VMEM((CHUNK, D_NEWS), jnp.float32),
            pltpu.VMEM((CHUNK, D_NEWS), jnp.float32),
            pltpu.VMEM((CHUNK, 2 * D_EMB), jnp.float32),
            pltpu.VMEM((CHUNK, 2 * D_EMB), jnp.float32),
            pltpu.VMEM_SHARED((2 * CAT_NUM, 2 * D_EMB), jnp.float32),
            pltpu.SemaphoreType.DMA,
            pltpu.SemaphoreType.DMA,
            pltpu.SemaphoreType.DMA,
            pltpu.SemaphoreType.DMA,
            pltpu.SemaphoreType.DMA,
            pltpu.SemaphoreType.DMA,
            pltpu.SemaphoreType.DMA,
            pltpu.SemaphoreType.DMA,
        ],
    )(news2d, idx, comb_tab)

    return out.reshape(B, L, D_OUT)

# --- scband reference (transcript-rebuilt; emitter-appended) ---
"""Pipeline reference for scband-news-encoder-21818433864441 (READ-ONLY COPY).

The authoritative reference and input builder live on the scoring server;
editing this copy changes nothing except your own understanding.
"""

import jax, jax.numpy as jnp
import numpy as np

B = 4096
L = 50
D_NEWS = 256
CAT_NUM = 1000
SUBCAT_NUM = 1000
CAT_DIM = 64
SUBCAT_DIM = 64


def setup_inputs(seed: int = 0) -> dict:
    key = jax.random.key(seed)
    k1, k2, k3, k4, k5 = jax.random.split(key, 5)
    news_representation = jax.random.normal(k1, (B, L, D_NEWS), dtype=jnp.float32)
    category = jax.random.randint(k2, (B, L), 0, CAT_NUM, dtype=jnp.int64)
    subCategory = jax.random.randint(k3, (B, L), 0, SUBCAT_NUM, dtype=jnp.int64)
    # learned embedding tables (uniform(-0.1, 0.1) per initialize(); subCategory row 0 zeroed)
    category_table = jax.random.uniform(k4, (CAT_NUM, CAT_DIM), dtype=jnp.float32, minval=-0.1, maxval=0.1)
    subCategory_table = jax.random.uniform(k5, (SUBCAT_NUM, SUBCAT_DIM), dtype=jnp.float32, minval=-0.1, maxval=0.1)
    subCategory_table = subCategory_table.at[0].set(0.0)
    return {
        "news_representation": news_representation,
        "category": category,
        "subCategory": subCategory,
        "category_table": category_table,
        "subCategory_table": subCategory_table,
    }


def reference(news_representation, category, subCategory, category_table, subCategory_table):
    # feature_fusion: embedding lookups + concat along last dim.
    # Dropout is identity in eval mode.
    category_representation = jnp.take(category_table, category, axis=0)        # [B, L, CAT_DIM]
    subCategory_representation = jnp.take(subCategory_table, subCategory, axis=0)  # [B, L, SUBCAT_DIM]
    news_out = jnp.concatenate(
        [news_representation, category_representation, subCategory_representation], axis=2
    )
    return news_out

if __name__ == "__main__":
    import jax
    _d = setup_inputs()
    print(jax.jit(kernel)(*tuple(_d.values())))

</pallas_src>

<mosaic_0001>
#map = affine_map<(d0, d1) -> (0, 0)>
#map1 = affine_map<(d0, d1) -> (0, 0, 0)>
module attributes {stable_mosaic.version = 14 : i64} {
  func.func @_sc_body(%arg0: i32, %arg1: i32, %arg2: memref<204800x256xf32, #tpu.memory_space<hbm>>, %arg3: memref<32x100x128xi32, #tpu.memory_space<hbm>>, %arg4: memref<2000x128xf32, #tpu.memory_space<hbm>>, %arg5: memref<204800x384xf32, #tpu.memory_space<hbm>>, %arg6: memref<100x128xi32, #tpu.memory_space<vmem>>, %arg7: memref<128x256xf32, #tpu.memory_space<vmem>>, %arg8: memref<128x256xf32, #tpu.memory_space<vmem>>, %arg9: memref<128x128xf32, #tpu.memory_space<vmem>>, %arg10: memref<128x128xf32, #tpu.memory_space<vmem>>, %arg11: memref<2000x128xf32, #tpu.memory_space<vmem_shared>>, %arg12: memref<!tpu.dma_semaphore, #tpu.memory_space<semaphore_mem>>, %arg13: memref<!tpu.dma_semaphore, #tpu.memory_space<semaphore_mem>>, %arg14: memref<!tpu.dma_semaphore, #tpu.memory_space<semaphore_mem>>, %arg15: memref<!tpu.dma_semaphore, #tpu.memory_space<semaphore_mem>>, %arg16: memref<!tpu.dma_semaphore, #tpu.memory_space<semaphore_mem>>, %arg17: memref<!tpu.dma_semaphore, #tpu.memory_space<semaphore_mem>>, %arg18: memref<!tpu.dma_semaphore, #tpu.memory_space<semaphore_mem>>, %arg19: memref<!tpu.dma_semaphore, #tpu.memory_space<semaphore_mem>>) attributes {dimension_semantics = [#tpu.dimension_semantics<core_parallel>, #tpu.dimension_semantics<subcore_parallel>], iteration_bounds = array<i64: 2, 16>, scalar_prefetch = 0 : i64, scratch_operands = 14 : i64, tpu.core_type = #tpu.core_type<sc_vector_subcore>, window_params = [{transform_indices = #map}, {transform_indices = #map1}, {transform_indices = #map}, {transform_indices = #map}]} {
    %mul3A = arith.constant 2 : i32
    %mul3A_0 = arith.muli %arg1, %mul3A : i32
    %add3A = arith.addi %mul3A_0, %arg0 : i32
    %mul3A_1 = arith.constant 6400 : i32
    %mul3A_2 = arith.muli %add3A, %mul3A_1 : i32
    %eq3A = arith.constant 0 : i32
    %eq3A_3 = arith.cmpi eq, %arg1, %eq3A : i32
    %convert_element_type3A = arith.extui %eq3A_3 : i1 to i32
    %cond3A = arith.constant 0 : i32
    %cond3A_4 = arith.cmpi ne, %convert_element_type3A, %cond3A : i32
    scf.if %cond3A_4 {
      "tpu.region"() ({
        %run_scoped3A = tpu.sem_alloc : memref<!tpu.dma_semaphore, #tpu.memory_space<semaphore_mem>>
        tpu.enqueue_dma source(%arg4 : memref<2000x128xf32, #tpu.memory_space<hbm>>) target(%arg11 : memref<2000x128xf32, #tpu.memory_space<vmem_shared>>) target_semaphore(%run_scoped3A : memref<!tpu.dma_semaphore, #tpu.memory_space<semaphore_mem>>)
        tpu.wait_dma2 semaphore(%run_scoped3A : memref<!tpu.dma_semaphore, #tpu.memory_space<semaphore_mem>>) src(%arg4 : memref<2000x128xf32, #tpu.memory_space<hbm>>) dst(%arg11 : memref<2000x128xf32, #tpu.memory_space<vmem_shared>>)
        tpu.yield
      }) : () -> ()
    } else {
    }
    "tpu.region"() ({
      %run_scoped3A = tpu.sem_alloc : memref<!tpu.dma_semaphore, #tpu.memory_space<semaphore_mem>>
      %dma_start3A_54 = arith.constant 0 : i32
      %dma_start3A_55 = arith.constant 0 : i32
      %dma_start3A_56 = tpu.memref_slice %arg3[%add3A, %dma_start3A_54, %dma_start3A_55] : memref<32x100x128xi32, #tpu.memory_space<hbm>> -> memref<1x100x128xi32, #tpu.memory_space<hbm>>
      %dma_start3A_57 = tpu.memref_squeeze %dma_start3A_56 : memref<1x100x128xi32, #tpu.memory_space<hbm>> -> memref<100x128xi32, #tpu.memory_space<hbm>>
      %dma_start3A_58 = arith.constant 0 : i32
      %dma_start3A_59 = arith.constant 0 : i32
      %dma_start3A_60 = tpu.memref_slice %arg3[%add3A, %dma_start3A_58, %dma_start3A_59] : memref<32x100x128xi32, #tpu.memory_space<hbm>> -> memref<1x100x128xi32, #tpu.memory_space<hbm>>
      %dma_start3A_61 = tpu.memref_squeeze %dma_start3A_60 : memref<1x100x128xi32, #tpu.memory_space<hbm>> -> memref<100x128xi32, #tpu.memory_space<hbm>>
      tpu.enqueue_dma source(%dma_start3A_61 : memref<100x128xi32, #tpu.memory_space<hbm>>) target(%arg6 : memref<100x128xi32, #tpu.memory_space<vmem>>) target_semaphore(%run_scoped3A : memref<!tpu.dma_semaphore, #tpu.memory_space<semaphore_mem>>)
      %dma_wait3A_62 = arith.constant 0 : i32
      %dma_wait3A_63 = arith.constant 0 : i32
      %dma_wait3A_64 = tpu.memref_slice %arg3[%add3A, %dma_wait3A_62, %dma_wait3A_63] : memref<32x100x128xi32, #tpu.memory_space<hbm>> -> memref<1x100x128xi32, #tpu.memory_space<hbm>>
      %dma_wait3A_65 = tpu.memref_squeeze %dma_wait3A_64 : memref<1x100x128xi32, #tpu.memory_space<hbm>> -> memref<100x128xi32, #tpu.memory_space<hbm>>
      %dma_wait3A_66 = arith.constant 0 : i32
      %dma_wait3A_67 = arith.constant 0 : i32
      %dma_wait3A_68 = tpu.memref_slice %arg3[%add3A, %dma_wait3A_66, %dma_wait3A_67] : memref<32x100x128xi32, #tpu.memory_space<hbm>> -> memref<1x100x128xi32, #tpu.memory_space<hbm>>
      %dma_wait3A_69 = tpu.memref_squeeze %dma_wait3A_68 : memref<1x100x128xi32, #tpu.memory_space<hbm>> -> memref<100x128xi32, #tpu.memory_space<hbm>>
      tpu.wait_dma2 semaphore(%run_scoped3A : memref<!tpu.dma_semaphore, #tpu.memory_space<semaphore_mem>>) src(%dma_wait3A_69 : memref<100x128xi32, #tpu.memory_space<hbm>>) dst(%arg6 : memref<100x128xi32, #tpu.memory_space<vmem>>)
      tpu.yield
    }) : () -> ()
    %barrier3A = arith.constant 0 : index
    tpu.barrier barrier_id(%barrier3A)
    %add3A_5 = arith.constant 0 : i32
    %add3A_6 = arith.addi %mul3A_2, %add3A_5 : i32
    %dma_start3A = arith.constant 0 : i32
    %dma_start3A_7 = tpu.memref_slice %arg2[%add3A_6, %dma_start3A] : memref<204800x256xf32, #tpu.memory_space<hbm>> -> memref<128x256xf32, #tpu.memory_space<hbm>>
    %dma_start3A_8 = arith.constant 0 : i32
    %dma_start3A_9 = tpu.memref_slice %arg2[%add3A_6, %dma_start3A_8] : memref<204800x256xf32, #tpu.memory_space<hbm>> -> memref<128x256xf32, #tpu.memory_space<hbm>>
    tpu.enqueue_dma source(%dma_start3A_9 : memref<128x256xf32, #tpu.memory_space<hbm>>) target(%arg7 : memref<128x256xf32, #tpu.memory_space<vmem>>) target_semaphore(%arg12 : memref<!tpu.dma_semaphore, #tpu.memory_space<semaphore_mem>>)
    %dma_start3A_10 = arith.constant 0 : i32
    %dma_start3A_11 = arith.constant 0 : i32
    %dma_start3A_12 = tpu.memref_slice %arg6[%dma_start3A_10, %dma_start3A_11] : memref<100x128xi32, #tpu.memory_space<vmem>> -> memref<1x128xi32, #tpu.memory_space<vmem>>
    %dma_start3A_13 = tpu.memref_squeeze %dma_start3A_12 : memref<1x128xi32, #tpu.memory_space<vmem>> -> memref<128xi32, #tpu.memory_space<vmem>>
    %dma_start3A_14 = arith.constant 0 : i32
    %dma_start3A_15 = arith.constant 0 : i32
    %dma_start3A_16 = tpu.memref_slice %arg11[%dma_start3A_14, %dma_start3A_15] : memref<2000x128xf32, #tpu.memory_space<vmem_shared>> -> memref<2000x128xf32, #tpu.memory_space<vmem_shared>>
    tpu.enqueue_indirect_dma source(%dma_start3A_16 : memref<2000x128xf32, #tpu.memory_space<vmem_shared>>) target(%arg9 : memref<128x128xf32, #tpu.memory_space<vmem>>) offsets(%dma_start3A_13 : memref<128xi32, #tpu.memory_space<vmem>>) semaphore(%arg14 : memref<!tpu.dma_semaphore, #tpu.memory_space<semaphore_mem>>)
    %add3A_17 = arith.constant 128 : i32
    %add3A_18 = arith.addi %mul3A_2, %add3A_17 : i32
    %dma_start3A_19 = arith.constant 0 : i32
    %dma_start3A_20 = tpu.memref_slice %arg2[%add3A_18, %dma_start3A_19] : memref<204800x256xf32, #tpu.memory_space<hbm>> -> memref<128x256xf32, #tpu.memory_space<hbm>>
    %dma_start3A_21 = arith.constant 0 : i32
    %dma_start3A_22 = tpu.memref_slice %arg2[%add3A_18, %dma_start3A_21] : memref<204800x256xf32, #tpu.memory_space<hbm>> -> memref<128x256xf32, #tpu.memory_space<hbm>>
    tpu.enqueue_dma source(%dma_start3A_22 : memref<128x256xf32, #tpu.memory_space<hbm>>) target(%arg8 : memref<128x256xf32, #tpu.memory_space<vmem>>) target_semaphore(%arg13 : memref<!tpu.dma_semaphore, #tpu.memory_space<semaphore_mem>>)
    %dma_start3A_23 = arith.constant 2 : i32
    %dma_start3A_24 = arith.constant 0 : i32
    %dma_start3A_25 = tpu.memref_slice %arg6[%dma_start3A_23, %dma_start3A_24] : memref<100x128xi32, #tpu.memory_space<vmem>> -> memref<1x128xi32, #tpu.memory_space<vmem>>
    %dma_start3A_26 = tpu.memref_squeeze %dma_start3A_25 : memref<1x128xi32, #tpu.memory_space<vmem>> -> memref<128xi32, #tpu.memory_space<vmem>>
    %dma_start3A_27 = arith.constant 0 : i32
    %dma_start3A_28 = arith.constant 0 : i32
    %dma_start3A_29 = tpu.memref_slice %arg11[%dma_start3A_27, %dma_start3A_28] : memref<2000x128xf32, #tpu.memory_space<vmem_shared>> -> memref<2000x128xf32, #tpu.memory_space<vmem_shared>>
    tpu.enqueue_indirect_dma source(%dma_start3A_29 : memref<2000x128xf32, #tpu.memory_space<vmem_shared>>) target(%arg10 : memref<128x128xf32, #tpu.memory_space<vmem>>) offsets(%dma_start3A_26 : memref<128xi32, #tpu.memory_space<vmem>>) semaphore(%arg15 : memref<!tpu.dma_semaphore, #tpu.memory_space<semaphore_mem>>)
    %scan3A = arith.constant 0 : i32
    %scan3A_30 = arith.constant 0 : i32
    %scan3A_31 = arith.constant 25 : i32
    %scan3A_32 = arith.addi %scan3A_30, %scan3A_31 : i32
    %scan3A_33 = arith.constant 1 : i32
    scf.for %scan3A_54 = %scan3A_30 to %scan3A_32 step %scan3A_33  : i32 {
      %mul3A_55 = arith.constant 2 : i32
      %mul3A_56 = arith.muli %mul3A_55, %scan3A_54 : i32
      %add3A_57 = arith.constant 0 : i32
      %add3A_58 = arith.addi %mul3A_56, %add3A_57 : i32
      %mul3A_59 = arith.constant 128 : i32
      %mul3A_60 = arith.muli %add3A_58, %mul3A_59 : i32
      %add3A_61 = arith.addi %mul3A_2, %mul3A_60 : i32
      %mul3A_62 = arith.constant 2 : i32
      %mul3A_63 = arith.muli %mul3A_62, %add3A_58 : i32
      %dma_wait3A_64 = arith.constant 0 : i32
      %dma_wait3A_65 = tpu.memref_slice %arg6[%mul3A_63, %dma_wait3A_64] : memref<100x128xi32, #tpu.memory_space<vmem>> -> memref<1x128xi32, #tpu.memory_space<vmem>>
      %dma_wait3A_66 = tpu.memref_squeeze %dma_wait3A_65 : memref<1x128xi32, #tpu.memory_space<vmem>> -> memref<128xi32, #tpu.memory_space<vmem>>
      %dma_wait3A_67 = arith.constant 0 : i32
      %dma_wait3A_68 = arith.constant 0 : i32
      %dma_wait3A_69 = tpu.memref_slice %arg11[%dma_wait3A_67, %dma_wait3A_68] : memref<2000x128xf32, #tpu.memory_space<vmem_shared>> -> memref<2000x128xf32, #tpu.memory_space<vmem_shared>>
      tpu.wait_indirect_dma semaphore(%arg14 : memref<!tpu.dma_semaphore, #tpu.memory_space<semaphore_mem>>) src(%dma_wait3A_69 : memref<2000x128xf32, #tpu.memory_space<vmem_shared>>) dst(%arg9 : memref<128x128xf32, #tpu.memory_space<vmem>>)
      %mul3A_70 = arith.constant 2 : i32
      %mul3A_71 = arith.muli %mul3A_70, %add3A_58 : i32
      %add3A_72 = arith.constant 1 : i32
      %add3A_73 = arith.addi %mul3A_71, %add3A_72 : i32
      %dma_start3A_74 = arith.constant 0 : i32
      %dma_start3A_75 = tpu.memref_slice %arg6[%add3A_73, %dma_start3A_74] : memref<100x128xi32, #tpu.memory_space<vmem>> -> memref<1x128xi32, #tpu.memory_space<vmem>>
      %dma_start3A_76 = tpu.memref_squeeze %dma_start3A_75 : memref<1x128xi32, #tpu.memory_space<vmem>> -> memref<128xi32, #tpu.memory_space<vmem>>
      %dma_start3A_77 = arith.constant 0 : i32
      %dma_start3A_78 = arith.constant 0 : i32
      %dma_start3A_79 = tpu.memref_slice %arg11[%dma_start3A_77, %dma_start3A_78] : memref<2000x128xf32, #tpu.memory_space<vmem_shared>> -> memref<2000x128xf32, #tpu.memory_space<vmem_shared>>
      tpu.enqueue_indirect_dma source(%dma_start3A_79 : memref<2000x128xf32, #tpu.memory_space<vmem_shared>>) target(%arg9 : memref<128x128xf32, #tpu.memory_space<vmem>>) offsets(%dma_start3A_76 : memref<128xi32, #tpu.memory_space<vmem>>) semaphore(%arg14 : memref<!tpu.dma_semaphore, #tpu.memory_space<semaphore_mem>>) {add = true}
      %dma_wait3A_80 = arith.constant 0 : i32
      %dma_wait3A_81 = tpu.memref_slice %arg6[%add3A_73, %dma_wait3A_80] : memref<100x128xi32, #tpu.memory_space<vmem>> -> memref<1x128xi32, #tpu.memory_space<vmem>>
      %dma_wait3A_82 = tpu.memref_squeeze %dma_wait3A_81 : memref<1x128xi32, #tpu.memory_space<vmem>> -> memref<128xi32, #tpu.memory_space<vmem>>
      %dma_wait3A_83 = arith.constant 0 : i32
      %dma_wait3A_84 = arith.constant 0 : i32
      %dma_wait3A_85 = tpu.memref_slice %arg11[%dma_wait3A_83, %dma_wait3A_84] : memref<2000x128xf32, #tpu.memory_space<vmem_shared>> -> memref<2000x128xf32, #tpu.memory_space<vmem_shared>>
      tpu.wait_indirect_dma semaphore(%arg14 : memref<!tpu.dma_semaphore, #tpu.memory_space<semaphore_mem>>) src(%dma_wait3A_85 : memref<2000x128xf32, #tpu.memory_space<vmem_shared>>) dst(%arg9 : memref<128x128xf32, #tpu.memory_space<vmem>>)
      %dma_start3A_86 = arith.constant 256 : i32
      %dma_start3A_87 = tpu.memref_slice %arg5[%add3A_61, %dma_start3A_86] : memref<204800x384xf32, #tpu.memory_space<hbm>> -> memref<128x128xf32, #tpu.memory_space<hbm>>
      %dma_start3A_88 = arith.constant 256 : i32
      %dma_start3A_89 = tpu.memref_slice %arg5[%add3A_61, %dma_start3A_88] : memref<204800x384xf32, #tpu.memory_space<hbm>> -> memref<128x128xf32, #tpu.memory_space<hbm>>
      tpu.enqueue_dma source(%arg9 : memref<128x128xf32, #tpu.memory_space<vmem>>) target(%dma_start3A_89 : memref<128x128xf32, #tpu.memory_space<hbm>>) target_semaphore(%arg16 : memref<!tpu.dma_semaphore, #tpu.memory_space<semaphore_mem>>)
      %dma_wait3A_90 = arith.constant 0 : i32
      %dma_wait3A_91 = tpu.memref_slice %arg2[%add3A_61, %dma_wait3A_90] : memref<204800x256xf32, #tpu.memory_space<hbm>> -> memref<128x256xf32, #tpu.memory_space<hbm>>
      %dma_wait3A_92 = arith.constant 0 : i32
      %dma_wait3A_93 = tpu.memref_slice %arg2[%add3A_61, %dma_wait3A_92] : memref<204800x256xf32, #tpu.memory_space<hbm>> -> memref<128x256xf32, #tpu.memory_space<hbm>>
      tpu.wait_dma2 semaphore(%arg12 : memref<!tpu.dma_semaphore, #tpu.memory_space<semaphore_mem>>) src(%dma_wait3A_93 : memref<128x256xf32, #tpu.memory_space<hbm>>) dst(%arg7 : memref<128x256xf32, #tpu.memory_space<vmem>>)
      %dma_start3A_94 = arith.constant 0 : i32
      %dma_start3A_95 = tpu.memref_slice %arg5[%add3A_61, %dma_start3A_94] : memref<204800x384xf32, #tpu.memory_space<hbm>> -> memref<128x256xf32, #tpu.memory_space<hbm>>
      %dma_start3A_96 = arith.constant 0 : i32
      %dma_start3A_97 = tpu.memref_slice %arg5[%add3A_61, %dma_start3A_96] : memref<204800x384xf32, #tpu.memory_space<hbm>> -> memref<128x256xf32, #tpu.memory_space<hbm>>
      tpu.enqueue_dma source(%arg7 : memref<128x256xf32, #tpu.memory_space<vmem>>) target(%dma_start3A_97 : memref<128x256xf32, #tpu.memory_space<hbm>>) target_semaphore(%arg18 : memref<!tpu.dma_semaphore, #tpu.memory_space<semaphore_mem>>)
      %mul3A_98 = arith.constant 2 : i32
      %mul3A_99 = arith.muli %mul3A_98, %scan3A_54 : i32
      %add3A_100 = arith.constant 1 : i32
      %add3A_101 = arith.addi %mul3A_99, %add3A_100 : i32
      %mul3A_102 = arith.constant 128 : i32
      %mul3A_103 = arith.muli %add3A_101, %mul3A_102 : i32
      %add3A_104 = arith.addi %mul3A_2, %mul3A_103 : i32
      %mul3A_105 = arith.constant 2 : i32
      %mul3A_106 = arith.muli %mul3A_105, %add3A_101 : i32
      %dma_wait3A_107 = arith.constant 0 : i32
      %dma_wait3A_108 = tpu.memref_slice %arg6[%mul3A_106, %dma_wait3A_107] : memref<100x128xi32, #tpu.memory_space<vmem>> -> memref<1x128xi32, #tpu.memory_space<vmem>>
      %dma_wait3A_109 = tpu.memref_squeeze %dma_wait3A_108 : memref<1x128xi32, #tpu.memory_space<vmem>> -> memref<128xi32, #tpu.memory_space<vmem>>
      %dma_wait3A_110 = arith.constant 0 : i32
      %dma_wait3A_111 = arith.constant 0 : i32
      %dma_wait3A_112 = tpu.memref_slice %arg11[%dma_wait3A_110, %dma_wait3A_111] : memref<2000x128xf32, #tpu.memory_space<vmem_shared>> -> memref<2000x128xf32, #tpu.memory_space<vmem_shared>>
      tpu.wait_indirect_dma semaphore(%arg15 : memref<!tpu.dma_semaphore, #tpu.memory_space<semaphore_mem>>) src(%dma_wait3A_112 : memref<2000x128xf32, #tpu.memory_space<vmem_shared>>) dst(%arg10 : memref<128x128xf32, #tpu.memory_space<vmem>>)
      %mul3A_113 = arith.constant 2 : i32
      %mul3A_114 = arith.muli %mul3A_113, %add3A_101 : i32
      %add3A_115 = arith.constant 1 : i32
      %add3A_116 = arith.addi %mul3A_114, %add3A_115 : i32
      %dma_start3A_117 = arith.constant 0 : i32
      %dma_start3A_118 = tpu.memref_slice %arg6[%add3A_116, %dma_start3A_117] : memref<100x128xi32, #tpu.memory_space<vmem>> -> memref<1x128xi32, #tpu.memory_space<vmem>>
      %dma_start3A_119 = tpu.memref_squeeze %dma_start3A_118 : memref<1x128xi32, #tpu.memory_space<vmem>> -> memref<128xi32, #tpu.memory_space<vmem>>
      %dma_start3A_120 = arith.constant 0 : i32
      %dma_start3A_121 = arith.constant 0 : i32
      %dma_start3A_122 = tpu.memref_slice %arg11[%dma_start3A_120, %dma_start3A_121] : memref<2000x128xf32, #tpu.memory_space<vmem_shared>> -> memref<2000x128xf32, #tpu.memory_space<vmem_shared>>
      tpu.enqueue_indirect_dma source(%dma_start3A_122 : memref<2000x128xf32, #tpu.memory_space<vmem_shared>>) target(%arg10 : memref<128x128xf32, #tpu.memory_space<vmem>>) offsets(%dma_start3A_119 : memref<128xi32, #tpu.memory_space<vmem>>) semaphore(%arg15 : memref<!tpu.dma_semaphore, #tpu.memory_space<semaphore_mem>>) {add = true}
      %dma_wait3A_123 = arith.constant 0 : i32
      %dma_wait3A_124 = tpu.memref_slice %arg6[%add3A_116, %dma_wait3A_123] : memref<100x128xi32, #tpu.memory_space<vmem>> -> memref<1x128xi32, #tpu.memory_space<vmem>>
      %dma_wait3A_125 = tpu.memref_squeeze %dma_wait3A_124 : memref<1x128xi32, #tpu.memory_space<vmem>> -> memref<128xi32, #tpu.memory_space<vmem>>
      %dma_wait3A_126 = arith.constant 0 : i32
      %dma_wait3A_127 = arith.constant 0 : i32
      %dma_wait3A_128 = tpu.memref_slice %arg11[%dma_wait3A_126, %dma_wait3A_127] : memref<2000x128xf32, #tpu.memory_space<vmem_shared>> -> memref<2000x128xf32, #tpu.memory_space<vmem_shared>>
      tpu.wait_indirect_dma semaphore(%arg15 : memref<!tpu.dma_semaphore, #tpu.memory_space<semaphore_mem>>) src(%dma_wait3A_128 : memref<2000x128xf32, #tpu.memory_space<vmem_shared>>) dst(%arg10 : memref<128x128xf32, #tpu.memory_space<vmem>>)
      %dma_start3A_129 = arith.constant 256 : i32
      %dma_start3A_130 = tpu.memref_slice %arg5[%add3A_104, %dma_start3A_129] : memref<204800x384xf32, #tpu.memory_space<hbm>> -> memref<128x128xf32, #tpu.memory_space<hbm>>
      %dma_start3A_131 = arith.constant 256 : i32
      %dma_start3A_132 = tpu.memref_slice %arg5[%add3A_104, %dma_start3A_131] : memref<204800x384xf32, #tpu.memory_space<hbm>> -> memref<128x128xf32, #tpu.memory_space<hbm>>
      tpu.enqueue_dma source(%arg10 : memref<128x128xf32, #tpu.memory_space<vmem>>) target(%dma_start3A_132 : memref<128x128xf32, #tpu.memory_space<hbm>>) target_semaphore(%arg17 : memref<!tpu.dma_semaphore, #tpu.memory_space<semaphore_mem>>)
      %dma_wait3A_133 = arith.constant 0 : i32
      %dma_wait3A_134 = tpu.memref_slice %arg2[%add3A_104, %dma_wait3A_133] : memref<204800x256xf32, #tpu.memory_space<hbm>> -> memref<128x256xf32, #tpu.memory_space<hbm>>
      %dma_wait3A_135 = arith.constant 0 : i32
      %dma_wait3A_136 = tpu.memref_slice %arg2[%add3A_104, %dma_wait3A_135] : memref<204800x256xf32, #tpu.memory_space<hbm>> -> memref<128x256xf32, #tpu.memory_space<hbm>>
      tpu.wait_dma2 semaphore(%arg13 : memref<!tpu.dma_semaphore, #tpu.memory_space<semaphore_mem>>) src(%dma_wait3A_136 : memref<128x256xf32, #tpu.memory_space<hbm>>) dst(%arg8 : memref<128x256xf32, #tpu.memory_space<vmem>>)
      %dma_start3A_137 = arith.constant 0 : i32
      %dma_start3A_138 = tpu.memref_slice %arg5[%add3A_104, %dma_start3A_137] : memref<204800x384xf32, #tpu.memory_space<hbm>> -> memref<128x256xf32, #tpu.memory_space<hbm>>
      %dma_start3A_139 = arith.constant 0 : i32
      %dma_start3A_140 = tpu.memref_slice %arg5[%add3A_104, %dma_start3A_139] : memref<204800x384xf32, #tpu.memory_space<hbm>> -> memref<128x256xf32, #tpu.memory_space<hbm>>
      tpu.enqueue_dma source(%arg8 : memref<128x256xf32, #tpu.memory_space<vmem>>) target(%dma_start3A_140 : memref<128x256xf32, #tpu.memory_space<hbm>>) target_semaphore(%arg19 : memref<!tpu.dma_semaphore, #tpu.memory_space<semaphore_mem>>)
      %mul3A_141 = arith.constant 2 : i32
      %mul3A_142 = arith.muli %mul3A_141, %scan3A_54 : i32
      %add3A_143 = arith.constant 2 : i32
      %add3A_144 = arith.addi %mul3A_142, %add3A_143 : i32
      %add3A_145 = arith.constant 0 : i32
      %add3A_146 = arith.addi %add3A_144, %add3A_145 : i32
      %lt3A = arith.constant 50 : i32
      %lt3A_147 = arith.cmpi slt, %add3A_146, %lt3A : i32
      %convert_element_type3A_148 = arith.extui %lt3A_147 : i1 to i32
      %cond3A_149 = arith.constant 0 : i32
      %cond3A_150 = arith.cmpi ne, %convert_element_type3A_148, %cond3A_149 : i32
      scf.if %cond3A_150 {
        %sub3A = arith.constant 2 : i32
        %sub3A_162 = arith.subi %add3A_146, %sub3A : i32
        %mul3A_163 = arith.constant 128 : i32
        %mul3A_164 = arith.muli %sub3A_162, %mul3A_163 : i32
        %add3A_165 = arith.addi %mul3A_2, %mul3A_164 : i32
        %dma_wait3A_166 = arith.constant 256 : i32
        %dma_wait3A_167 = tpu.memref_slice %arg5[%add3A_165, %dma_wait3A_166] : memref<204800x384xf32, #tpu.memory_space<hbm>> -> memref<128x128xf32, #tpu.memory_space<hbm>>
        %dma_wait3A_168 = arith.constant 256 : i32
        %dma_wait3A_169 = tpu.memref_slice %arg5[%add3A_165, %dma_wait3A_168] : memref<204800x384xf32, #tpu.memory_space<hbm>> -> memref<128x128xf32, #tpu.memory_space<hbm>>
        tpu.wait_dma2 semaphore(%arg16 : memref<!tpu.dma_semaphore, #tpu.memory_space<semaphore_mem>>) src(%arg9 : memref<128x128xf32, #tpu.memory_space<vmem>>) dst(%dma_wait3A_169 : memref<128x128xf32, #tpu.memory_space<hbm>>)
        %dma_wait3A_170 = arith.constant 0 : i32
        %dma_wait3A_171 = tpu.memref_slice %arg5[%add3A_165, %dma_wait3A_170] : memref<204800x384xf32, #tpu.memory_space<hbm>> -> memref<128x256xf32, #tpu.memory_space<hbm>>
        %dma_wait3A_172 = arith.constant 0 : i32
        %dma_wait3A_173 = tpu.memref_slice %arg5[%add3A_165, %dma_wait3A_172] : memref<204800x384xf32, #tpu.memory_space<hbm>> -> memref<128x256xf32, #tpu.memory_space<hbm>>
        tpu.wait_dma2 semaphore(%arg18 : memref<!tpu.dma_semaphore, #tpu.memory_space<semaphore_mem>>) src(%arg7 : memref<128x256xf32, #tpu.memory_space<vmem>>) dst(%dma_wait3A_173 : memref<128x256xf32, #tpu.memory_space<hbm>>)
        %mul3A_174 = arith.constant 128 : i32
        %mul3A_175 = arith.muli %add3A_146, %mul3A_174 : i32
        %add3A_176 = arith.addi %mul3A_2, %mul3A_175 : i32
        %dma_start3A_177 = arith.constant 0 : i32
        %dma_start3A_178 = tpu.memref_slice %arg2[%add3A_176, %dma_start3A_177] : memref<204800x256xf32, #tpu.memory_space<hbm>> -> memref<128x256xf32, #tpu.memory_space<hbm>>
        %dma_start3A_179 = arith.constant 0 : i32
        %dma_start3A_180 = tpu.memref_slice %arg2[%add3A_176, %dma_start3A_179] : memref<204800x256xf32, #tpu.memory_space<hbm>> -> memref<128x256xf32, #tpu.memory_space<hbm>>
        tpu.enqueue_dma source(%dma_start3A_180 : memref<128x256xf32, #tpu.memory_space<hbm>>) target(%arg7 : memref<128x256xf32, #tpu.memory_space<vmem>>) target_semaphore(%arg12 : memref<!tpu.dma_semaphore, #tpu.memory_space<semaphore_mem>>)
        %mul3A_181 = arith.constant 2 : i32
        %mul3A_182 = arith.muli %mul3A_181, %add3A_146 : i32
        %dma_start3A_183 = arith.constant 0 : i32
        %dma_start3A_184 = tpu.memref_slice %arg6[%mul3A_182, %dma_start3A_183] : memref<100x128xi32, #tpu.memory_space<vmem>> -> memref<1x128xi32, #tpu.memory_space<vmem>>
        %dma_start3A_185 = tpu.memref_squeeze %dma_start3A_184 : memref<1x128xi32, #tpu.memory_space<vmem>> -> memref<128xi32, #tpu.memory_space<vmem>>
        %dma_start3A_186 = arith.constant 0 : i32
        %dma_start3A_187 = arith.constant 0 : i32
        %dma_start3A_188 = tpu.memref_slice %arg11[%dma_start3A_186, %dma_start3A_187] : memref<2000x128xf32, #tpu.memory_space<vmem_shared>> -> memref<2000x128xf32, #tpu.memory_space<vmem_shared>>
        tpu.enqueue_indirect_dma source(%dma_start3A_188 : memref<2000x128xf32, #tpu.memory_space<vmem_shared>>) target(%arg9 : memref<128x128xf32, #tpu.memory_space<vmem>>) offsets(%dma_start3A_185 : memref<128xi32, #tpu.memory_space<vmem>>) semaphore(%arg14 : memref<!tpu.dma_semaphore, #tpu.memory_space<semaphore_mem>>)
      } else {
      }
      %mul3A_151 = arith.constant 2 : i32
      %mul3A_152 = arith.muli %mul3A_151, %scan3A_54 : i32
      %add3A_153 = arith.constant 2 : i32
      %add3A_154 = arith.addi %mul3A_152, %add3A_153 : i32
      %add3A_155 = arith.constant 1 : i32
      %add3A_156 = arith.addi %add3A_154, %add3A_155 : i32
      %lt3A_157 = arith.constant 50 : i32
      %lt3A_158 = arith.cmpi slt, %add3A_156, %lt3A_157 : i32
      %convert_element_type3A_159 = arith.extui %lt3A_158 : i1 to i32
      %cond3A_160 = arith.constant 0 : i32
      %cond3A_161 = arith.cmpi ne, %convert_element_type3A_159, %cond3A_160 : i32
      scf.if %cond3A_161 {
        %sub3A = arith.constant 2 : i32
        %sub3A_162 = arith.subi %add3A_156, %sub3A : i32
        %mul3A_163 = arith.constant 128 : i32
        %mul3A_164 = arith.muli %sub3A_162, %mul3A_163 : i32
        %add3A_165 = arith.addi %mul3A_2, %mul3A_164 : i32
        %dma_wait3A_166 = arith.constant 256 : i32
        %dma_wait3A_167 = tpu.memref_slice %arg5[%add3A_165, %dma_wait3A_166] : memref<204800x384xf32, #tpu.memory_space<hbm>> -> memref<128x128xf32, #tpu.memory_space<hbm>>
        %dma_wait3A_168 = arith.constant 256 : i32
        %dma_wait3A_169 = tpu.memref_slice %arg5[%add3A_165, %dma_wait3A_168] : memref<204800x384xf32, #tpu.memory_space<hbm>> -> memref<128x128xf32, #tpu.memory_space<hbm>>
        tpu.wait_dma2 semaphore(%arg17 : memref<!tpu.dma_semaphore, #tpu.memory_space<semaphore_mem>>) src(%arg10 : memref<128x128xf32, #tpu.memory_space<vmem>>) dst(%dma_wait3A_169 : memref<128x128xf32, #tpu.memory_space<hbm>>)
        %dma_wait3A_170 = arith.constant 0 : i32
        %dma_wait3A_171 = tpu.memref_slice %arg5[%add3A_165, %dma_wait3A_170] : memref<204800x384xf32, #tpu.memory_space<hbm>> -> memref<128x256xf32, #tpu.memory_space<hbm>>
        %dma_wait3A_172 = arith.constant 0 : i32
        %dma_wait3A_173 = tpu.memref_slice %arg5[%add3A_165, %dma_wait3A_172] : memref<204800x384xf32, #tpu.memory_space<hbm>> -> memref<128x256xf32, #tpu.memory_space<hbm>>
        tpu.wait_dma2 semaphore(%arg19 : memref<!tpu.dma_semaphore, #tpu.memory_space<semaphore_mem>>) src(%arg8 : memref<128x256xf32, #tpu.memory_space<vmem>>) dst(%dma_wait3A_173 : memref<128x256xf32, #tpu.memory_space<hbm>>)
        %mul3A_174 = arith.constant 128 : i32
        %mul3A_175 = arith.muli %add3A_156, %mul3A_174 : i32
        %add3A_176 = arith.addi %mul3A_2, %mul3A_175 : i32
        %dma_start3A_177 = arith.constant 0 : i32
        %dma_start3A_178 = tpu.memref_slice %arg2[%add3A_176, %dma_start3A_177] : memref<204800x256xf32, #tpu.memory_space<hbm>> -> memref<128x256xf32, #tpu.memory_space<hbm>>
        %dma_start3A_179 = arith.constant 0 : i32
        %dma_start3A_180 = tpu.memref_slice %arg2[%add3A_176, %dma_start3A_179] : memref<204800x256xf32, #tpu.memory_space<hbm>> -> memref<128x256xf32, #tpu.memory_space<hbm>>
        tpu.enqueue_dma source(%dma_start3A_180 : memref<128x256xf32, #tpu.memory_space<hbm>>) target(%arg8 : memref<128x256xf32, #tpu.memory_space<vmem>>) target_semaphore(%arg13 : memref<!tpu.dma_semaphore, #tpu.memory_space<semaphore_mem>>)
        %mul3A_181 = arith.constant 2 : i32
        %mul3A_182 = arith.muli %mul3A_181, %add3A_156 : i32
        %dma_start3A_183 = arith.constant 0 : i32
        %dma_start3A_184 = tpu.memref_slice %arg6[%mul3A_182, %dma_start3A_183] : memref<100x128xi32, #tpu.memory_space<vmem>> -> memref<1x128xi32, #tpu.memory_space<vmem>>
        %dma_start3A_185 = tpu.memref_squeeze %dma_start3A_184 : memref<1x128xi32, #tpu.memory_space<vmem>> -> memref<128xi32, #tpu.memory_space<vmem>>
        %dma_start3A_186 = arith.constant 0 : i32
        %dma_start3A_187 = arith.constant 0 : i32
        %dma_start3A_188 = tpu.memref_slice %arg11[%dma_start3A_186, %dma_start3A_187] : memref<2000x128xf32, #tpu.memory_space<vmem_shared>> -> memref<2000x128xf32, #tpu.memory_space<vmem_shared>>
        tpu.enqueue_indirect_dma source(%dma_start3A_188 : memref<2000x128xf32, #tpu.memory_space<vmem_shared>>) target(%arg10 : memref<128x128xf32, #tpu.memory_space<vmem>>) offsets(%dma_start3A_185 : memref<128xi32, #tpu.memory_space<vmem>>) semaphore(%arg15 : memref<!tpu.dma_semaphore, #tpu.memory_space<semaphore_mem>>)
      } else {
      }
    }
    %scan3A_34 = arith.constant 25 : i32
    %add3A_35 = arith.constant 6144 : i32
    %add3A_36 = arith.addi %mul3A_2, %add3A_35 : i32
    %dma_wait3A = arith.constant 256 : i32
    %dma_wait3A_37 = tpu.memref_slice %arg5[%add3A_36, %dma_wait3A] : memref<204800x384xf32, #tpu.memory_space<hbm>> -> memref<128x128xf32, #tpu.memory_space<hbm>>
    %dma_wait3A_38 = arith.constant 256 : i32
    %dma_wait3A_39 = tpu.memref_slice %arg5[%add3A_36, %dma_wait3A_38] : memref<204800x384xf32, #tpu.memory_space<hbm>> -> memref<128x128xf32, #tpu.memory_space<hbm>>
    tpu.wait_dma2 semaphore(%arg16 : memref<!tpu.dma_semaphore, #tpu.memory_space<semaphore_mem>>) src(%arg9 : memref<128x128xf32, #tpu.memory_space<vmem>>) dst(%dma_wait3A_39 : memref<128x128xf32, #tpu.memory_space<hbm>>)
    %dma_wait3A_40 = arith.constant 0 : i32
    %dma_wait3A_41 = tpu.memref_slice %arg5[%add3A_36, %dma_wait3A_40] : memref<204800x384xf32, #tpu.memory_space<hbm>> -> memref<128x256xf32, #tpu.memory_space<hbm>>
    %dma_wait3A_42 = arith.constant 0 : i32
    %dma_wait3A_43 = tpu.memref_slice %arg5[%add3A_36, %dma_wait3A_42] : memref<204800x384xf32, #tpu.memory_space<hbm>> -> memref<128x256xf32, #tpu.memory_space<hbm>>
    tpu.wait_dma2 semaphore(%arg18 : memref<!tpu.dma_semaphore, #tpu.memory_space<semaphore_mem>>) src(%arg7 : memref<128x256xf32, #tpu.memory_space<vmem>>) dst(%dma_wait3A_43 : memref<128x256xf32, #tpu.memory_space<hbm>>)
    %add3A_44 = arith.constant 6272 : i32
    %add3A_45 = arith.addi %mul3A_2, %add3A_44 : i32
    %dma_wait3A_46 = arith.constant 256 : i32
    %dma_wait3A_47 = tpu.memref_slice %arg5[%add3A_45, %dma_wait3A_46] : memref<204800x384xf32, #tpu.memory_space<hbm>> -> memref<128x128xf32, #tpu.memory_space<hbm>>
    %dma_wait3A_48 = arith.constant 256 : i32
    %dma_wait3A_49 = tpu.memref_slice %arg5[%add3A_45, %dma_wait3A_48] : memref<204800x384xf32, #tpu.memory_space<hbm>> -> memref<128x128xf32, #tpu.memory_space<hbm>>
    tpu.wait_dma2 semaphore(%arg17 : memref<!tpu.dma_semaphore, #tpu.memory_space<semaphore_mem>>) src(%arg10 : memref<128x128xf32, #tpu.memory_space<vmem>>) dst(%dma_wait3A_49 : memref<128x128xf32, #tpu.memory_space<hbm>>)
    %dma_wait3A_50 = arith.constant 0 : i32
    %dma_wait3A_51 = tpu.memref_slice %arg5[%add3A_45, %dma_wait3A_50] : memref<204800x384xf32, #tpu.memory_space<hbm>> -> memref<128x256xf32, #tpu.memory_space<hbm>>
    %dma_wait3A_52 = arith.constant 0 : i32
    %dma_wait3A_53 = tpu.memref_slice %arg5[%add3A_45, %dma_wait3A_52] : memref<204800x384xf32, #tpu.memory_space<hbm>> -> memref<128x256xf32, #tpu.memory_space<hbm>>
    tpu.wait_dma2 semaphore(%arg19 : memref<!tpu.dma_semaphore, #tpu.memory_space<semaphore_mem>>) src(%arg8 : memref<128x256xf32, #tpu.memory_space<vmem>>) dst(%dma_wait3A_53 : memref<128x256xf32, #tpu.memory_space<hbm>>)
    return
  }
}

</mosaic_0001>

<sc_bundles>
// kernel: kernel.3.cloned.1.call-start
scs
__scs_entry_jumppad:
0x0: {  	(pc) =	sbr.rel $0x88, $3  }
0x1: {  	(tag) =	ssettag $0x0;
	lr =	simm.s32 $0x1  }
0x2: {  	[smem:$0x3F9C] =	sst lr;
	_ =	strace $0xD0000000  }
0x3: {  	_ = 	snop  }
0x4: {  	_ = 	snop  }
0x5: {  	_ = 	snop  }
0x6: {  	_ = 	snop  }
0x7: {  	_ = 	snop  }
__scs_overlays_trampoline_lowered:
0x8: {  	[smem:$0x3FAB] =	sst s0  }
0x9: {  	[smem:$0x3FAC] =	sst s1  }
0xa: {  	[smem:$0x3FAD] =	sst s2  }
0xb: {  	[smem:$0x3FAE] =	sst s3  }
0xc: {  	[smem:$0x3FAF] =	sst s4  }
0xd: {  	[smem:$0x3FB0] =	sst s5  }
0xe: {  	[smem:$0x3FB1] =	sst s6  }
0xf: {  	[smem:$0x3FB2] =	sst s7  }
0x10: {  	[smem:$0x3FB3] =	sst s8  }
0x11: {  	[smem:$0x3FB4] =	sst s9;
	s0 =	simm.s32 @!p0 $0x0  }
0x12: {  	s1 =	sld [smem:$0x3F9A];
	s0 =	simm.s32 @p0 $0x1  }
0x13: {  	[smem:$0x3FB5] =	sst s0;
	s0 =	simm.s32 @!p1 $0x0  }
0x14: {  	s2 =	sld [smem:$0x3F99];
	s0 =	simm.s32 @p1 $0x1  }
0x15: {  	[smem:$0x3FB6] =	sst s0;
	s0 =	simm.s32 @!p2 $0x0  }
0x16: {  	s3 =	sld [smem:$0x3FDB];
	s0 =	simm.s32 @p2 $0x1  }
0x17: {  	s4 =	simm.s32 $0x1BF5;
	[smem:$0x3FB8] =	sst s0  }
0x18: {  	s0 =	sld [smem:$0x3F9B];
	_ =	swait.ge [sflag:s4], $0x0  }
0x19: {  	s7 =	sld [smem:$0x3F9C]  }
0x1a: {  	s8 =	sadd.s32 $0xFFFFE003, lr  }
0x1b: {  	s9 =	sadd.s32 $0xFFFFFEF7, lr;
	s5 =	simm.s32 $0xFFFFFFFF;
	p2 =	slt.u32 s8, $0xFFFFF086  }
0x1c: {  	p1 =	slt.u32 s9, $0xF7A;
	s5 =	simm.s32 @!p2 $0x0  }
0x1d: {  	s5 =	simm.s32 @p1 $0x1;
	p0 =	seq.s32 s7, s2  }
0x1e: {  	s7 =	smul.u32 @!p0 $0xF7A, s2;
	p2 =	seq.s32 @!p0 s5, $0x0  }
0x1f: {  	s9 =	smul.u32 $0xF7A, s1;
	s8 =	simm.s32 @!p0 $0x1BF5;
	p2 =	por !p2, p0  }
0x20: {  	[sflag:s8] =	ssyncset.s32 @!p0 $0xFFFFF086;
	s6 =	sadd.s32 @!p0 s3, s7;
	s7 =	simm.s32 @!p0 $0x108  }
0x21: {  	s3 =	sadd.s32 s3, s9;
	s6 =	sadd.s32 @!p0 $0x88, s6;
	s7 =	simm.s32 @p2 $0x1082  }
0x22: {  	[simem:s7], [sflag:s8] =	dma.local @!p0 [hbm:s6], $0xF7A  }
0x23: {  	s9 =	sor.u32 $0xD0000000, s2;
	s6 =	simm.s32 $0x108;
	_ =	swait.ge @!p0 [sflag:s8], $0x0  }
0x24: {  	s3 =	sadd.s32 $0x88, s3;
	s6 =	simm.s32 @!p1 $0x1082;
	[sflag:s4] =	ssyncset.s32 $0xFFFFF086  }
0x25: {  	[simem:s6], [sflag:s4] =	dma.local [hbm:s3], $0xF7A  }
0x26: {  	[smem:$0x3F9C] =	sst s1;
	(tag) =	ssettag s2;
	_ =	strace s9  }
0x27: {  	s1 =	sld [smem:$0x3FAC]  }
0x28: {  	s2 =	sld [smem:$0x3FAD]  }
0x29: {  	s4 =	sld [smem:$0x3FAF]  }
0x2a: {  	p0 =	seq.s32 s5, $0x0;
	s5 =	sld [smem:$0x3FB0]  }
0x2b: {  	s6 =	sld [smem:$0x3FB1]  }
0x2c: {  	s7 =	sld [smem:$0x3FB2]  }
0x2d: {  	s3 =	simm.s32 $0x108;
	s8 =	sld [smem:$0x3FB3]  }
0x2e: {  	s3 =	simm.s32 @!p0 $0x1082;
	s9 =	sld [smem:$0x3FB4]  }
0x2f: {  	lr =	sadd.s32 s0, s3;
	s0 =	sld [smem:$0x3FAB]  }
0x30: {  	s3 =	sld [smem:$0x3FAE]  }
0x31: {  	[smem:$0x3FB7] =	sst s10  }
0x32: {  	s10 =	sld [smem:$0x3FB5];
	_ =	sdelay $0x3  }
0x33: {  	p0 =	seq.s32 s10, $0x1;
	s10 =	sld [smem:$0x3FB7];
	_ =	sdelay $0x3  }
0x34: {  	[smem:$0x3FB7] =	sst s10  }
0x35: {  	s10 =	sld [smem:$0x3FB6];
	_ =	sdelay $0x3  }
0x36: {  	p1 =	seq.s32 s10, $0x1;
	s10 =	sld [smem:$0x3FB7];
	_ =	sdelay $0x3  }
0x37: {  	[smem:$0x3FB7] =	sst s10  }
0x38: {  	s10 =	sld [smem:$0x3FB8]  }
0x39: {  	_ = 	snop;
	(pc) =	sbr.ind lr, $3  }
0x3a: {  	_ = 	snop  }
0x3b: {  	_ = 	snop  }
0x3c: {  	p2 =	seq.s32 s10, $0x1;
	s10 =	sld [smem:$0x3FB7]  }
0x3d: {  	_ =	shalt  }
0x3e: {  	_ =	shalt  }
0x3f: {  	_ =	shalt  }
0x40: {  	_ =	shalt  }
0x41: {  	_ =	shalt  }
0x42: {  	_ =	shalt  }
0x43: {  	_ =	shalt  }
0x44: {  	_ =	shalt  }
0x45: {  	_ =	shalt  }
0x46: {  	_ =	shalt  }
0x47: {  	_ =	shalt  }
0x48: {  	_ =	shalt  }
0x49: {  	_ =	shalt  }
0x4a: {  	_ =	shalt  }
0x4b: {  	_ =	shalt  }
0x4c: {  	_ =	shalt  }
0x4d: {  	_ =	shalt  }
0x4e: {  	_ =	shalt  }
0x4f: {  	_ =	shalt  }
0x50: {  	_ =	shalt  }
0x51: {  	_ =	shalt  }
0x52: {  	_ =	shalt  }
0x53: {  	_ =	shalt  }
0x54: {  	_ =	shalt  }
0x55: {  	_ =	shalt  }
0x56: {  	_ =	shalt  }
0x57: {  	_ =	shalt  }
0x58: {  	_ =	shalt  }
0x59: {  	_ =	shalt  }
0x5a: {  	_ =	shalt  }
0x5b: {  	_ =	shalt  }
0x5c: {  	_ =	shalt  }
0x5d: {  	_ =	shalt  }
0x5e: {  	_ =	shalt  }
0x5f: {  	_ =	shalt  }
0x60: {  	_ =	shalt  }
0x61: {  	_ =	shalt  }
0x62: {  	_ =	shalt  }
0x63: {  	_ =	shalt  }
0x64: {  	_ =	shalt  }
0x65: {  	_ =	shalt  }
0x66: {  	_ =	shalt  }
0x67: {  	_ =	shalt  }
0x68: {  	_ =	shalt  }
0x69: {  	_ =	shalt  }
0x6a: {  	_ =	shalt  }
0x6b: {  	_ =	shalt  }
0x6c: {  	_ =	shalt  }
0x6d: {  	_ =	shalt  }
0x6e: {  	_ =	shalt  }
0x6f: {  	_ =	shalt  }
0x70: {  	_ =	shalt  }
0x71: {  	_ =	shalt  }
0x72: {  	_ =	shalt  }
0x73: {  	_ =	shalt  }
0x74: {  	_ =	shalt  }
0x75: {  	_ =	shalt  }
0x76: {  	_ =	shalt  }
0x77: {  	_ =	shalt  }
0x78: {  	_ =	shalt  }
0x79: {  	_ =	shalt  }
0x7a: {  	_ =	shalt  }
0x7b: {  	_ =	shalt  }
0x7c: {  	_ =	shalt  }
0x7d: {  	_ =	shalt  }
0x7e: {  	_ =	shalt  }
0x7f: {  	_ =	shalt  }
0x80: {  	_ =	shalt  }
0x81: {  	_ =	shalt  }
0x82: {  	_ =	shalt  }
0x83: {  	_ =	shalt  }
0x84: {  	_ =	shalt  }
0x85: {  	_ =	shalt  }
0x86: {  	_ =	shalt  }
0x87: {  	_ =	shalt  }
.Lfunc_end0:
.L_simem_size_0:
called_computation.1_lowered:
.L_overlay_start_0:
0x88: {  	s2 =	sld [smem:$0x3FD9]  }
0x89: {  	s3 =	sld [smem:$0x3FFE];
	_ =	sdelay $0x1  }
0x8a: {  	s1 =	srdreg.scid  }
0x8b: {  	s0 =	sand.u32 $0x1, s1  }
0x8c: {  	s17 =	sshll.u32 s0, $0xA;
	s2 =	sadd.s32 s3, s2  }
0x8d: {  	s2 =	sadd.s32 s2, s17  }
0x8e: {  	[smem:$0x3FC3] =	sst s2  }
0x8f: {  	_ = 	snop  }
0x90: {  	s2 =	sld [smem:$0x3FD0];
	(tm) =	ssettm $0x1  }
0x91: {  	s18 =	sld [smem:$0x3FFB];
	_ =	sdelay $0x3  }
0x92: {  	_ =	strace s18  }
0x93: {  	s3 =	sld [smem:$0x3FFC];
	_ =	sdelay $0x3  }
0x94: {  	_ =	strace s3  }
0x95: {  	s3 =	sld [smem:$0x3FFD];
	_ =	sdelay $0x3  }
0x96: {  	_ =	strace s3  }
0x97: {  	_ =	strace $0x8FFFFFFF  }
0x98: {  	s19 =	sld [smem:$0x3FDB];
	_ =	sdelay $0x1  }
0x99: {  	s4 =	simm.s32 $_scs_section_size  }
0x9a: {  	s5 =	simm.s32 $_size__tile_overlayer_lowered;
	s6 =	simm.s32 $_tile_overlayer_lowered  }
0x9b: {  	s22 =	simm.s32 $0x1BFF;
	s21 =	sshll.u32 s6, $0x1;
	s3 =	sadd.s32 s4, s19  }
0x9c: {  	s7 =	simm.s32 $0x0;
	s20 =	sshll.u32 s5, $0x1;
	s5 =	sadd.s32 s21, s3  }
0x9d: {  	[timem:s7], [sflag:s22] =	dma.local [hbm:s5], s20  }
0x9e: {  	_ =	swait.ge [sflag:s22], s20  }
0x9f: {  	s4 =	ssub.s32 $0x0, s20;
	[sflag:s22] =	ssyncset.done $0x0  }
0xa0: {  	[sflag:s22] =	ssyncadd.s32 s4;
	_ =	sdelay $0x1  }
0xa1: {  	s23 =	simm.s32 $0x1B8B  }
0xa2: {  	_ =	swait.ge [sflag:s23], $0x1  }
0xa3: {  	[sflag:s23] =	ssyncset.done $0x0  }
0xa4: {  	s25 =	simm.s32 $0x1B8E;
	s24 =	sld [smem:$0x3FFE];
	[sflag:s23] =	ssyncadd.s32 $0xFFFFFFFF  }
0xa5: {  	s26 =	simm.s32 $execute0_lowered;
	[smem:$0x3FD2] =	sst s25  }
0xa6: {  	s5 =	sshll.u32 s26, $0x1;
	_ =	strace $0x80000046;
	[dreg:$0x1] =	wrdreg $0xFFFFFFFF  }
0xa7: {  	s28 =	simm.s32 $_size_execute0_lowered;
	s3 =	sadd.s32 s3, s5;
	[dreg:$0x0] =	wrdreg $0x0  }
0xa8: {  	s5 =	sshll.u32 s28, $0x1;
	[dreg:$0x2] =	wrdreg s3  }
0xa9: {  	[dreg:$0x3] =	wrdreg s5  }
0xaa: {  	[dreg:$0x4] =	wrdreg $0xC0  }
0xab: {  	_ =	task [dreg:s7], $0x5FFFF  }
0xac: {  	[dreg:$0x1] =	wrdreg $0xFFFFFFFF  }
0xad: {  	[dreg:$0x0] =	wrdreg $0x60  }
0xae: {  	[dreg:$0x2] =	wrdreg s24  }
0xaf: {  	[dreg:$0x3] =	wrdreg s2  }
0xb0: {  	[dreg:$0x4] =	wrdreg $0x1B4000  }
0xb1: {  	[dreg:$0x5] =	wrdreg $0x9  }
0xb2: {  	_ =	task.clear_ibuf [dreg:s7], $0x6FFFF;
	_ =	strace $0x90000046  }
0xb3: {  	s29 =	simm.s32 $0x9;
	_ =	strace $0x80000048  }
0xb4: {  	_ =	swait.ge [sflag:s29], $0x1  }
0xb5: {  	[sflag:s29] =	ssyncadd.s32 $0xFFFFFFFF  }
0xb6: {  	_ =	strace $0x90000048  }
0xb7: {  	_ =	sfence  }
0xb8: {  	s30 =	sld [smem:$0x0];
	_ =	sdelay $0x2  }
0xb9: {  	s31 =	sshll.u32 s1, $0xD;
	s1 =	sshrl.u32 s1, $0x2  }
0xba: {  	s3 =	sand.u32 $0x4000, s31;
	s1 =	sadd.s32 s1, s30  }
0xbb: {  	s0 =	sor.u32 s3, s0;
	s1 =	sshll.u32 s1, $0x11  }
0xbc: {  	s0 =	sor.u32 s1, s0  }
0xbd: {  	s0 =	sadd.s32 $0x8F2B, s0  }
0xbe: {  	[sflag:s0] =	ssyncadd.remote.s32 $0x1  }
0xbf: {  	_ =	sfence.sel $0xFFFF  }
0xc0: {  	[dreg:$0x0] =	wrdreg $0xFFFFFFFF;
	(pc) =	sbr.abs _section_cstart, $3  }
0xc1: {  	[dreg:$0x1] =	wrdreg $0xFFFFFFFF  }
0xc2: {  	_ =	task.clear_ibuf [dreg:s7], $0x2FFFF;
	_ =	strace $0x9FFFFFFF  }
0xc3: {  	(tm) =	ssettm $0x7FFFFFFF  }
tec
execute0_lowered:
.L_overlay_start_1:
0x0: {  	(tag) =	ssettag $0x1  }
0x1: {  	s0 =	rddreg [dreg:$0x0]  }
0x2: {  	s4 =	rddreg [dreg:$0x1]  }
0x3: {  	s1 =	rddreg [dreg:$0x2];
	s2 =	srdreg.scid  }
0x4: {  	s5 =	stileid.u32;
	s14 =	simm.s32 $0x9;
	s15 =	simm.s32 $0x3400  }
0x5: {  	s16 =	simm.s32 $0x80;
	s17 =	simm.s32 $0x13400;
	s28 =	simm.s32 $0x2  }
0x6: {  	s29 =	simm.s32 $0x5;
	s30 =	simm.s32 $0x7;
	s31 =	simm.s32 $0x6  }
0x7: {  	s6 =	sand.u32 $0x1, s2;
	s3 =	sshll.u32 s5, $0x1;
	s7 =	smul.u32 $0x3200, s5  }
0x8: {  	s2 =	simm.s32 $0x0;
	s12 =	smul.u32 $0x320000, s5;
	p0 =	sne.s32 s5, $0x0  }
0x9: {  	s8 =	sor.u32 s6, s3;
	s9 =	smul.u32 $0x1900, s6;
	[smem:$0x7FF] =	sst s2  }
0xa: {  	s3 =	sadd.s32 $0x16000, s0;
	s20 =	ssub.s32 $0x2, s6;
	s21 =	smul.u32 $0x190000, s6  }
0xb: {  	s13 =	sshrl.u32 @!p0 s1, $0x3;
	s10 =	smul.u32 $0x680, s8;
	_ =	strace $0x80000047  }
0xc: {  	s8 =	smul.u32 $0x32000, s8;
	s11 =	sshrl.u32 s20, $0x1;
	s7 =	sadd.s32 s9, s7  }
0xd: {  	s24 =	sadd.s32 s21, s12;
	s21 =	simm.s32 $0x3;
	s18 =	sadd.s32 s10, s0  }
0xe: {  	s19 =	sshrl.u32 s7, $0x3;
	s0 =	sadd.s32 $0x1000, s0;
	s7 =	sor.u32 $0x80, s7  }
0xf: {  	s23 =	sadd.s32 s3, s8;
	s25 =	sadd.s32 $0x18000, s24;
	[dreg:$0x4] =	wrdreg s0  }
0x10: {  	s10 =	smul.u32 $0x180, s19;
	s0 =	ssub.s32 s20, s11;
	s7 =	sshrl.u32 s7, $0x3  }
0x11: {  	s22 =	sadd.s32 $0x9000, s18;
	[dreg:$0x6] =	wrdreg s23;
	s6 =	sadd.s32 $0x1000, s23  }
0x12: {  	s26 =	sshrl.u32 s25, $0x3;
	s18 =	simm.s32 $0xB400;
	s20 =	simm.s32 $0x17400  }
0x13: {  	s23 =	simm.s32 $0xC00;
	s25 =	simm.s32 $0x800;
	s7 =	smul.u32 $0x180, s7  }
.Ltmp0:
0x14: {  	s19 =	simm.s32 $0x0;
	[dreg:$0x5] =	wrdreg s22;
	(pc) =	sbr.rel .LBB2_1-.Ltmp0, $4  }
0x15: {  	[dreg:$0x7] =	wrdreg s6;
	s0 =	smax.u32 s0, $0x1;
	s5 =	sadd.s32 s26, s3  }
0x16: {  	s22 =	simm.s32 $0x400;
	s26 =	simm.s32 $0x4;
	[dreg:$0x8] =	wrdreg s0  }
0x17: {  	s9 =	sadd.s32 s10, s4;
	s0 =	sadd.s32 $0x10000, s24;
	s24 =	simm.s32 $0x1  }
0x18: {  	s10 =	sadd.s32 s7, s4;
	[dreg:$0x9] =	wrdreg s0;
	s0 =	simm.s32 $0x8  }
.LBB2_4:
0x19: {  	_ =	swait.ge [sflag:s29], $0x4000  }
0x1a: {  	[sflag:s29] =	ssyncset.done $0x0  }
0x1b: {  	[sflag:s29] =	ssyncadd.s32 $0xFFFFC000  }
0x1c: {  	_ =	swait.ge [sflag:s30], $0x8000  }
0x1d: {  	[sflag:s30] =	ssyncset.done $0x0  }
0x1e: {  	[sflag:s30] =	ssyncadd.s32 $0xFFFF8000  }
0x1f: {  	_ =	swait.ge [sflag:s31], $0x4000  }
0x20: {  	[sflag:s31] =	ssyncset.done $0x0  }
0x21: {  	[sflag:s31] =	ssyncadd.s32 $0xFFFFC000  }
0x22: {  	_ =	swait.ge [sflag:s0], $0x8000  }
0x23: {  	s19 =	sadd.s32 $0x1, s19;
	s4 =	rddreg [dreg:$0x8]  }
0x24: {  	p1 =	sne.s32 s19, s4  }
.Ltmp1:
0x25: {  	_ = 	snop;
	(pc) =	sbr.rel @!p1 .LBB2_5-.Ltmp1, $3  }
0x26: {  	_ =	sdelay $0x1  }
0x27: {  	[sflag:s0] =	ssyncset.done $0x0  }
0x28: {  	[sflag:s0] =	ssyncadd.s32 $0xFFFF8000  }
.LBB2_1:
0x29: {  	s4 =	simm.s32 @!p0 $0x1C09;
	s6 =	rddreg [dreg:$0x4]  }
0x2a: {  	[spmem:s13], [sflag:s4] =	dma.local @!p0 [hbm:s6], $0x7D00  }
0x2b: {  	s4 =	simm.s32 @!p0 $0x9  }
0x2c: {  	_ =	swait.ge @!p0 [sflag:s4], $0x7D00  }
0x2d: {  	[sflag:s4] =	ssyncset.done @!p0 $0x0  }
0x2e: {  	s7 =	rddreg [dreg:$0x5];
	[sflag:s4] =	ssyncadd.s32 @!p0 $0xFFFF8300  }
0x2f: {  	[tilespmem:s2], [sflag:$0x9] =	stream.linear.gather [hbm4b:s7+s2], $0x3200, $0x38;
	[tilespmem:$0x1F280] =	vst v63  }
0x30: {  	_ =	swait.ge [sflag:s14], $0x3200  }
0x31: {  	[sflag:s14] =	ssyncset.done $0x0  }
0x32: {  	[sflag:s14] =	ssyncadd.s32 $0xFFFFCE00  }
0x33: {  	[bflag:$0x0] =	sbarrier.arrive $0xFFFF  }
0x34: {  	s8 =	rddreg [dreg:$0x6]  }
0x35: {  	[tilespmem:s15], [sflag:$0x1] =	stream.linear.gather [hbm4b:s8+s2], $0x8000, $0x38;
	[tilespmem:$0x1F280] =	vst v63  }
0x36: {  	_ = 	snop  }
0x37: {  	[tilespmem:s17], [sflag:$0x3] =	stream.indirect.gather [spmem:s1], $0x80, s2, s16, $0xb8;
	[tilespmem:$0x1F280] =	vst v63  }
0x38: {  	s11 =	rddreg [dreg:$0x7]  }
0x39: {  	[tilespmem:s18], [sflag:$0x2] =	stream.linear.gather [hbm4b:s11+s2], $0x8000, $0x38;
	[tilespmem:$0x1F280] =	vst v63  }
0x3a: {  	s12 =	simm.s32 $0x100;
	s4 =	simm.s32 $0x180  }
0x3b: {  	[tilespmem:s20], [sflag:$0x4] =	stream.indirect.gather [spmem:s1], $0x80, s12, s16, $0xb8;
	[tilespmem:$0x1F280] =	vst v63  }
0x3c: {  	s8 =	simm.s32 $0x0;
	s11 =	rddreg [dreg:$0x9];
	s12 =	smov.u32 s5  }
.LBB2_2:
0x3d: {  	_ =	swait.ge [sflag:s21], $0x4000  }
0x3e: {  	[sflag:s21] =	ssyncset.done $0x0  }
0x3f: {  	s6 =	sadd.s32 $0xFFFFFF00, s4;
	[sflag:s21] =	ssyncadd.s32 $0xFFFFC000  }
0x40: {  	[tilespmem:s17], [sflag:$0x3] =	stream.indirect.gather.add.f32 [spmem:s1], $0x80, s6, s16, $0xb8;
	[tilespmem:$0x1F280] =	vst v63  }
0x41: {  	_ =	swait.ge [sflag:s21], $0x4000  }
0x42: {  	s6 =	sadd.s32 s8, s9;
	[sflag:s21] =	ssyncset.done $0x0  }
0x43: {  	s7 =	sadd.s32 $0x100, s6;
	[sflag:s21] =	ssyncadd.s32 $0xFFFFC000  }
0x44: {  	[hbm4b:s7+s22] =	stream.strided.scatter [tilespmem:s17], [sflag:$0x5], $0x4000, s23, s22, $0x38;
	[tilespmem:$0x1F280] =	vst v63  }
0x45: {  	_ =	swait.ge [sflag:s24], $0x8000  }
0x46: {  	[sflag:s24] =	ssyncset.done $0x0  }
0x47: {  	[sflag:s24] =	ssyncadd.s32 $0xFFFF8000  }
0x48: {  	[hbm4b:s6+s25] =	stream.strided.scatter [tilespmem:s15], [sflag:$0x7], $0x8000, s23, s25, $0x38;
	[tilespmem:$0x1F280] =	vst v63  }
0x49: {  	_ =	swait.ge [sflag:s26], $0x4000  }
0x4a: {  	[sflag:s26] =	ssyncset.done $0x0  }
0x4b: {  	[sflag:s26] =	ssyncadd.s32 $0xFFFFC000  }
0x4c: {  	[tilespmem:s20], [sflag:$0x4] =	stream.indirect.gather.add.f32 [spmem:s1], $0x80, s4, s16, $0xb8;
	[tilespmem:$0x1F280] =	vst v63  }
0x4d: {  	_ =	swait.ge [sflag:s26], $0x4000  }
0x4e: {  	s6 =	sadd.s32 s8, s10;
	[sflag:s26] =	ssyncset.done $0x0  }
0x4f: {  	p1 =	seq.s32 s8, $0x48000;
	s7 =	sadd.s32 $0x100, s6;
	[sflag:s26] =	ssyncadd.s32 $0xFFFFC000  }
0x50: {  	[hbm4b:s7+s22] =	stream.strided.scatter [tilespmem:s20], [sflag:$0x6], $0x4000, s23, s22, $0x38;
	[tilespmem:$0x1F280] =	vst v63  }
.Ltmp2:
0x51: {  	_ = 	snop;
	(pc) =	sbr.rel @p1 .LBB2_4-.Ltmp2, $4  }
0x52: {  	_ =	swait.ge [sflag:s28], $0x8000  }
0x53: {  	[sflag:s28] =	ssyncset.done $0x0  }
0x54: {  	[sflag:s28] =	ssyncadd.s32 $0xFFFF8000  }
0x55: {  	[hbm4b:s6+s25] =	stream.strided.scatter [tilespmem:s18], [sflag:$0x8], $0x8000, s23, s25, $0x38;
	[tilespmem:$0x1F280] =	vst v63  }
0x56: {  	_ =	swait.ge [sflag:s29], $0x4000  }
0x57: {  	[sflag:s29] =	ssyncset.done $0x0  }
0x58: {  	[sflag:s29] =	ssyncadd.s32 $0xFFFFC000  }
0x59: {  	_ =	swait.ge [sflag:s30], $0x8000  }
0x5a: {  	s6 =	sshrl.u32 s11, $0x3;
	[sflag:s30] =	ssyncset.done $0x0  }
0x5b: {  	s6 =	sadd.s32 s3, s6;
	[sflag:s30] =	ssyncadd.s32 $0xFFFF8000  }
0x5c: {  	[tilespmem:s15], [sflag:$0x1] =	stream.linear.gather [hbm4b:s6+s2], $0x8000, $0x38;
	[tilespmem:$0x1F280] =	vst v63  }
0x5d: {  	s7 =	sadd.s32 $0x80, s4  }
0x5e: {  	[tilespmem:s17], [sflag:$0x3] =	stream.indirect.gather [spmem:s1], $0x80, s7, s16, $0xb8;
	[tilespmem:$0x1F280] =	vst v63  }
0x5f: {  	_ =	swait.ge [sflag:s31], $0x4000  }
0x60: {  	[sflag:s31] =	ssyncset.done $0x0  }
0x61: {  	[sflag:s31] =	ssyncadd.s32 $0xFFFFC000  }
0x62: {  	_ =	swait.ge [sflag:s0], $0x8000  }
.Ltmp3:
0x63: {  	[sflag:s0] =	ssyncset.done $0x0;
	(pc) =	sbr.rel .LBB2_2-.Ltmp3, $4  }
0x64: {  	s8 =	sadd.s32 $0x3000, s8;
	s11 =	sadd.s32 $0x10000, s11;
	[sflag:s0] =	ssyncadd.s32 $0xFFFF8000  }
0x65: {  	[tilespmem:s18], [sflag:$0x2] =	stream.linear.gather [hbm4b:s12+s2], $0x8000, $0x38;
	[tilespmem:$0x1F280] =	vst v63  }
0x66: {  	s7 =	sadd.s32 $0x180, s4;
	s4 =	sadd.s32 $0x200, s4;
	s12 =	sadd.s32 $0x2000, s12  }
0x67: {  	[tilespmem:s20], [sflag:$0x4] =	stream.indirect.gather [spmem:s1], $0x80, s7, s16, $0xb8;
	[tilespmem:$0x1F280] =	vst v63  }
.LBB2_5:
0x68: {  	_ =	sfence.sel $0x180000  }
0x69: {  	[bflag:$0x0] =	sbarrier.arrive $0xFFFF  }
0x6a: {  	_ =	strace $0x90000047  }
0x6b: {  	[bflag:$0x2] =	sbarrier.arrive $0xFFFF  }
0x6c: {  	s0 =	rddreg [dreg:$0x3]  }
0x6d: {  	s0 =	sadd.s32 @!p0 $0x100000, s0  }
0x6e: {  	[sflag:s0] =	ssyncadd.tile.s32 @!p0 $0x1;
	_ =	shalt  }
.Lfunc_end2:
_tile_overlayer_lowered:
.L_overlay_start_2:
0x6f: {  	(tag) =	ssettag $0x2  }
0x70: {  	s0 =	rddreg [dreg:$0x0];
	s2 =	stileid.u32  }
0x71: {  	s1 =	rddreg [dreg:$0x1];
	p0 =	sne.s32 s2, $0x0  }
0x72: {  	s3 =	rddreg [dreg:$0x2];
	[bflag:$0x3] =	sbarrier.arrive $0xFFFF;
	s2 =	simm.s32 @!p0 $0x1C09  }
0x73: {  	[timem:s3], [sflag:s2] =	dma.local @!p0 [hbm:s0], s1  }
0x74: {  	s0 =	simm.s32 @!p0 $0x9  }
0x75: {  	_ =	swait.ge @!p0 [sflag:s0], s1  }
0x76: {  	s1 =	ssub.s32 @!p0 $0x0, s1;
	[sflag:s0] =	ssyncset.done @!p0 $0x0  }
0x77: {  	[sflag:s0] =	ssyncadd.s32 @!p0 s1  }
0x78: {  	[bflag:$0x3] =	sbarrier.arrive $0xFFFF  }
0x79: {  	_ =	shalt  }

// kernel: sparse-core-data-format-call.cloned.1.call-start
scs
called_computation_lowered:
.L_overlay_start_0:
0x0: {  	s2 =	sld [smem:$0x3FD9]  }
0x1: {  	s3 =	sld [smem:$0x3FFE];
	_ =	sdelay $0x1  }
0x2: {  	s1 =	srdreg.scid  }
0x3: {  	s0 =	sand.u32 $0x1, s1  }
0x4: {  	s18 =	sshll.u32 s0, $0xA;
	s2 =	sadd.s32 s3, s2  }
0x5: {  	s2 =	sadd.s32 s2, s18  }
0x6: {  	[smem:$0x3FC3] =	sst s2  }
0x7: {  	_ = 	snop  }
0x8: {  	s2 =	sld [smem:$0x3FD0];
	(tm) =	ssettm $0x1  }
0x9: {  	s19 =	sld [smem:$0x3FFB];
	_ =	sdelay $0x3  }
0xa: {  	_ =	strace s19  }
0xb: {  	s3 =	sld [smem:$0x3FFC];
	_ =	sdelay $0x3  }
0xc: {  	_ =	strace s3  }
0xd: {  	s3 =	sld [smem:$0x3FFD];
	_ =	sdelay $0x3  }
0xe: {  	_ =	strace s3  }
0xf: {  	_ =	strace $0x8FFFFFFF  }
0x10: {  	s20 =	sld [smem:$0x3FDB];
	_ =	sdelay $0x1  }
0x11: {  	s4 =	simm.s32 $_scs_section_size  }
0x12: {  	s5 =	simm.s32 $_size__tile_overlayer_lowered;
	s6 =	simm.s32 $_tile_overlayer_lowered  }
0x13: {  	s23 =	simm.s32 $0x1BFF;
	s22 =	sshll.u32 s6, $0x1;
	s3 =	sadd.s32 s4, s20  }
0x14: {  	s7 =	simm.s32 $0x0;
	s21 =	sshll.u32 s5, $0x1;
	s5 =	sadd.s32 s22, s3  }
0x15: {  	[timem:s7], [sflag:s23] =	dma.local [hbm:s5], s21  }
0x16: {  	_ =	swait.ge [sflag:s23], s21  }
0x17: {  	s4 =	ssub.s32 $0x0, s21;
	[sflag:s23] =	ssyncset.done $0x0  }
0x18: {  	[sflag:s23] =	ssyncadd.s32 s4;
	_ =	sdelay $0x1  }
0x19: {  	s24 =	simm.s32 $0x1B8B  }
0x1a: {  	_ =	swait.ge [sflag:s24], $0x1  }
0x1b: {  	[sflag:s24] =	ssyncset.done $0x0  }
0x1c: {  	s26 =	simm.s32 $0x1B8E;
	s25 =	sld [smem:$0x3FFE];
	[sflag:s24] =	ssyncadd.s32 $0xFFFFFFFF  }
0x1d: {  	s27 =	simm.s32 $execute0_lowered;
	[smem:$0x3FD2] =	sst s26  }
0x1e: {  	s5 =	sshll.u32 s27, $0x1;
	_ =	strace $0x80000049;
	[dreg:$0x1] =	wrdreg $0xFFFFFFFF  }
0x1f: {  	s28 =	simm.s32 $_size_execute0_lowered;
	s3 =	sadd.s32 s3, s5;
	[dreg:$0x0] =	wrdreg $0x0  }
0x20: {  	s5 =	sshll.u32 s28, $0x1;
	[dreg:$0x2] =	wrdreg s3  }
0x21: {  	[dreg:$0x3] =	wrdreg s5  }
0x22: {  	[dreg:$0x4] =	wrdreg $0xC0  }
0x23: {  	_ =	task [dreg:s7], $0x5FFFF  }
0x24: {  	[dreg:$0x1] =	wrdreg $0xFFFFFFFF  }
0x25: {  	[dreg:$0x0] =	wrdreg $0x60  }
0x26: {  	[dreg:$0x2] =	wrdreg s25  }
0x27: {  	[dreg:$0x3] =	wrdreg s2  }
0x28: {  	[dreg:$0x4] =	wrdreg $0x9  }
0x29: {  	_ =	task.clear_ibuf [dreg:s7], $0x5FFFF;
	_ =	strace $0x90000049  }
0x2a: {  	s29 =	simm.s32 $0x9;
	_ =	strace $0x8000004B  }
0x2b: {  	_ =	swait.ge [sflag:s29], $0x1  }
0x2c: {  	[sflag:s29] =	ssyncadd.s32 $0xFFFFFFFF  }
0x2d: {  	_ =	strace $0x9000004B  }
0x2e: {  	_ =	sfence  }
0x2f: {  	s30 =	sld [smem:$0x0];
	_ =	sdelay $0x2  }
0x30: {  	s31 =	sshll.u32 s1, $0xD;
	s1 =	sshrl.u32 s1, $0x2  }
0x31: {  	s3 =	sand.u32 $0x4000, s31;
	s1 =	sadd.s32 s1, s30  }
0x32: {  	s0 =	sor.u32 s3, s0;
	s1 =	sshll.u32 s1, $0x11  }
0x33: {  	s0 =	sor.u32 s1, s0  }
0x34: {  	s0 =	sadd.s32 $0x8F2B, s0  }
0x35: {  	[sflag:s0] =	ssyncadd.remote.s32 $0x1  }
0x36: {  	_ =	sfence.sel $0xFFFF  }
0x37: {  	[dreg:$0x0] =	wrdreg $0xFFFFFFFF;
	(pc) =	sbr.abs _section_cstart, $3  }
0x38: {  	[dreg:$0x1] =	wrdreg $0xFFFFFFFF  }
0x39: {  	_ =	task.clear_ibuf [dreg:s7], $0x2FFFF;
	_ =	strace $0x9FFFFFFF  }
0x3a: {  	(tm) =	ssettm $0x7FFFFFFF  }
0x3b: {  	_ =	shalt  }
tec
execute0_lowered:
.L_overlay_start_1:
0x0: {  	(tag) =	ssettag $0x1  }
0x1: {  	s0 =	srdreg.scid  }
0x2: {  	s1 =	sshll.u32 s0, $0x4  }
0x3: {  	s6 =	rddreg [dreg:$0x0];
	s0 =	stileid.u32;
	s1 =	sand.u32 $0x10, s1  }
0x4: {  	s3 =	rddreg [dreg:$0x1];
	s1 =	sor.u32 s0, s1  }
0x5: {  	s5 =	simm.s32 $0x1;
	s31 =	simm.s32 $0x2;
	s2 =	sshll.u32 s1, $0x7  }
0x6: {  	s15 =	simm.s32 $0x0;
	s8 =	simm.s32 $0xC00;
	s4 =	ssub.s32 $0x1000, s2  }
0x7: {  	s9 =	simm.s32 $0x0;
	s14 =	simm.s32 $0x0;
	s30 =	sand.u32 $0xF80, s4  }
0x8: {  	s16 =	simm.s32 $0x0;
	s10 =	simm.s32 $0x0;
	p0 =	sne.s32 s30, $0x0  }
.Ltmp0:
0x9: {  	s7 =	sshrl.u32 s4, $0xC;
	s5 =	simm.s32 @!p0 $0x0;
	(pc) =	sbr.rel .LBB1_1-.Ltmp0, $4  }
0xa: {  	s11 =	simm.s32 $0x0;
	s1 =	rddreg [dreg:$0x2];
	s5 =	sadd.s32 s5, s7  }
0xb: {  	_ =	strace $0x8000004A;
	s4 =	simm.s32 $0x1;
	s5 =	smul.u32 $0x96, s5  }
0xc: {  	s13 =	simm.s32 $0x0;
	s6 =	sadd.s32 $0x1000, s6;
	[sflag:s4] =	ssyncpa.u1 $0x0  }
0xd: {  	s12 =	smov.u32 s2;
	[sflag:s31] =	ssyncpa.u1 $0x0;
	s7 =	sor.u32 $0x1, s5  }
.LBB1_4:
0xe: {  	_ =	sdelay $0x2  }
0xf: {  	s20 =	sshrl.u32 s16, $0x3  }
0x10: {  	[tilespmem:v0+s19+$0xFFFFFFD0 ss:$0x1] =	vst.idx.msk $0xffff, v7;
	s21 =	sshll.u32 s15, $0x3;
	s20 =	smul.u32 $0xC00, s20  }
0x11: {  	v56 =	vld.idx.msk [tilespmem:v1+s18+$0x0 ss:$0x1], $0xffff;
	[tilespmem:v0+s19+$0xFFFFFFE0 ss:$0x1] =	vst.idx.msk $0xffff, v5;
	s27 =	sshll.u32 s16, $0x7;
	s21 =	sand.u32 $0xFFFFFC00, s21  }
0x12: {  	v57 =	vld.idx.msk [tilespmem:v1+s18+$0xFFFFFF90 ss:$0x1], $0xffff;
	[tilespmem:v0+s19+$0xFFFFFFF0 ss:$0x1] =	vst.idx.msk $0xffff, v4;
	s16 =	sand.u32 $0x380, s27;
	s20 =	sadd.s32 s20, s21  }
0x13: {  	v58 =	vld.idx.msk [tilespmem:v1+s18+$0xFFFFFFA0 ss:$0x1], $0xffff;
	[tilespmem:v0+s19+$0x0 ss:$0x1] =	vst.idx.msk $0xffff, v2;
	s28 =	sand.u32 $0x7F, s15;
	s16 =	sor.u32 s16, s20  }
0x14: {  	v59 =	vld.idx.msk [tilespmem:v1+s18+$0xFFFFFFB0 ss:$0x1], $0xffff;
	[tilespmem:v0+s19+$0x10 ss:$0x1] =	vst.idx.msk $0xffff, v3;
	s15 =	sor.u32 s28, s16  }
0x15: {  	v60 =	vld.idx.msk [tilespmem:v1+s18+$0xFFFFFFC0 ss:$0x1], $0xffff;
	[tilespmem:v0+s19+$0x20 ss:$0x1] =	vst.idx.msk $0xffff, v6;
	s29 =	smulhi.u32 $0xAAAAAAAB, s15  }
0x16: {  	v61 =	vld.idx.msk [tilespmem:v1+s18+$0xFFFFFFD0 ss:$0x1], $0xffff;
	[tilespmem:v0+s18+$0x30 ss:$0x1] =	vst.idx.msk $0xffff, v56;
	s16 =	smulhi.u32 $0xAAAAAAAB, s16  }
0x17: {  	v62 =	vld.idx.msk [tilespmem:v1+s18+$0xFFFFFFE0 ss:$0x1], $0xffff;
	[tilespmem:v0+s18+$0xFFFFFFC0 ss:$0x1] =	vst.idx.msk $0xffff, v57;
	s19 =	sshrl.u32 s29, $0x8  }
0x18: {  	v63 =	vld.idx.msk [tilespmem:v1+s18+$0xFFFFFFF0 ss:$0x1], $0xffff;
	[tilespmem:v0+s18+$0xFFFFFFD0 ss:$0x1] =	vst.idx.msk $0xffff, v58;
	s16 =	sshrl.u32 s16, $0x8;
	s19 =	smul.u32 $0x180, s19  }
0x19: {  	s14 =	smul.u32 $0x30000, s14;
	[tilespmem:v0+s18+$0xFFFFFFE0 ss:$0x1] =	vst.idx.msk $0xffff, v59;
	s16 =	sand.u32 $0xFFF, s16  }
0x1a: {  	[tilespmem:v0+s18+$0xFFFFFFF0 ss:$0x1] =	vst.idx.msk $0xffff, v60;
	s16 =	smul.u32 $0x30, s16;
	s15 =	ssub.s32 s15, s19  }
0x1b: {  	s14 =	sadd.s32 s3, s14;
	[tilespmem:v0+s18+$0x0 ss:$0x1] =	vst.idx.msk $0xffff, v61;
	s19 =	sand.u32 $0x7, s15  }
0x1c: {  	[tilespmem:v0+s18+$0x10 ss:$0x1] =	vst.idx.msk $0xffff, v62;
	s14 =	sadd.s32 s16, s14;
	s15 =	sshrl.u32 s15, $0x3;
	s30 =	sshll.u32 s19, $0x12  }
0x1d: {  	[tilespmem:v0+s18+$0x20 ss:$0x1] =	vst.idx.msk $0xffff, v63;
	s14 =	sadd.s32 s15, s14;
	s31 =	sor.u32 $0x400, s30  }
0x1e: {  	[hbm4b:s14+s31] =	stream.strided.scatter [tilespmem:s17], [sflag:$0x2], $0x4000, s8, s31, $0x38;
	[tilespmem:$0x10000] =	vst v63  }
.LBB1_5:
0x1f: {  	s17 =	sadd.s32 $0x80, s10  }
0x20: {  	s14 =	simm.s32 $0x1;
	p1 =	sgt.s32 s17, $0x17F  }
0x21: {  	s14 =	simm.s32 @!p1 $0x0  }
0x22: {  	s18 =	sadd.s32 s14, s11  }
0x23: {  	s20 =	smov.u32 s12;
	s14 =	sadd.s32 $0x1000, s12;
	p2 =	sgt.s32 s18, $0x31  }
0x24: {  	s20 =	smov.u32 @p2 s14  }
0x25: {  	s17 =	simm.s32 @p1 $0x0;
	p1 =	sgt.s32 s20, $0xFFF  }
0x26: {  	p0 =	slt.u32 s13, $0x2;
	s20 =	smov.u32 @p1 s2;
	p1 =	sne.s32 s13, s7  }
.Ltmp1:
0x27: {  	s19 =	simm.s32 @!p0 $0x2;
	(pc) =	sbr.rel @!p1 .LBB1_6-.Ltmp1, $4  }
0x28: {  	s15 =	smov.u32 s10;
	s16 =	smov.u32 s12;
	_ =	swait.ge @!p0 [sflag:s19], $0x4000  }
0x29: {  	s9 =	sadd.s32 $0x4000, s9;
	[sflag:s19] =	ssyncset.done @!p0 $0x0;
	s10 =	smov.u32 s17  }
0x2a: {  	[sflag:s19] =	ssyncadd.s32 @!p0 $0xFFFFC000;
	s18 =	simm.s32 @p2 $0x0;
	s14 =	smov.u32 s11  }
0x2b: {  	s11 =	smov.u32 s18;
	s13 =	sadd.s32 $0x1, s13;
	s12 =	smov.u32 s20  }
.LBB1_1:
0x2c: {  	p0 =	sge.u32 s13, s5  }
0x2d: {  	s17 =	sshrl.u32 @!p0 s11, $0x3  }
0x2e: {  	s18 =	sshll.u32 @!p0 s10, $0x3;
	s17 =	smul.u32 @!p0 $0xC00, s17  }
0x2f: {  	s19 =	sshll.u32 @!p0 s11, $0x7;
	s18 =	sand.u32 @!p0 $0xFFFFFC00, s18  }
0x30: {  	s17 =	sadd.s32 @!p0 s17, s18;
	s18 =	sand.u32 @!p0 $0x380, s19  }
0x31: {  	s17 =	sor.u32 @!p0 s18, s17  }
0x32: {  	s18 =	sand.u32 @!p0 $0x7F, s10;
	s19 =	smulhi.u32 @!p0 $0xAAAAAAAB, s17  }
0x33: {  	s17 =	sor.u32 @!p0 s18, s17  }
0x34: {  	s18 =	smulhi.u32 @!p0 $0xAAAAAAAB, s17;
	s19 =	sshrl.u32 @!p0 s19, $0x8  }
0x35: {  	s20 =	smulhi.u32 @!p0 $0x4924925, s19;
	_ =	sdelay $0x1  }
0x36: {  	s18 =	sshrl.u32 @!p0 s18, $0x8;
	s20 =	smul.u32 @!p0 $0x38, s20  }
0x37: {  	s31 =	sadd.s32 $0xFFFFFFFF, s13;
	s18 =	smul.u32 @!p0 $0x180, s18  }
0x38: {  	s21 =	sxor.u32 @!p0 $0xFFFFFFFF, s13;
	s19 =	ssub.s32 @!p0 s19, s20;
	s20 =	smul.u32 @!p0 $0xA80, s12  }
0x39: {  	s21 =	sshll.u32 @!p0 s21, $0xE;
	s17 =	ssub.s32 @!p0 s17, s18;
	s18 =	smul.u32 @!p0 $0x30, s19  }
0x3a: {  	s19 =	sand.u32 @!p0 $0x4000, s21;
	s21 =	sand.u32 @!p0 $0x7, s17;
	s20 =	sadd.s32 @!p0 s6, s20  }
0x3b: {  	s17 =	sshrl.u32 @!p0 s17, $0x3;
	s18 =	sadd.s32 @!p0 s18, s20;
	s20 =	sshll.u32 @!p0 s21, $0x12  }
0x3c: {  	s17 =	sadd.s32 @!p0 s17, s18;
	s18 =	sor.u32 @!p0 $0x80, s20;
	s20 =	simm.s32 @!p0 $0x5400  }
0x3d: {  	[tilespmem:s19], [sflag:$0x1] =	stream.strided.gather @!p0 [hbm4b:s17+s18], $0x4000, s20, s18, $0x38;
	[tilespmem:$0x10000] =	vst v63  }
0x3e: {  	p0 =	sge.u32 s31, s5  }
.Ltmp2:
0x3f: {  	_ = 	snop;
	(pc) =	sbr.rel @p0 .LBB1_5-.Ltmp2, $1  }
0x40: {  	_ =	sdelay $0x3  }
0x41: {  	s17 =	sand.u32 $0x4000, s9  }
0x42: {  	s18 =	sor.u32 $0x70, s17  }
0x43: {  	v1 =	vmov s18;
	_ =	sdelay $0x1  }
0x44: {  	_ =	swait.ge [sflag:s4], $0x4000  }
0x45: {  	[sflag:s4] =	ssyncset.done $0x0  }
0x46: {  	s19 =	simm.s32 $0x0;
	[sflag:s4] =	ssyncadd.s32 $0xFFFFC000  }
0x47: {  	s17 =	sor.u32 $0x8040, s17;
	v6 =	vld.idx.msk [tilespmem:v1+s19+$0x0 ss:$0x1], $0xffff  }
0x48: {  	v0 =	vmov s17;
	v8 =	vld.idx.msk [tilespmem:v1+s19+$0xFFFFFF90 ss:$0x1], $0xffff  }
0x49: {  	v7 =	vld.idx.msk [tilespmem:v1+s19+$0xFFFFFFA0 ss:$0x1], $0xffff  }
0x4a: {  	v5 =	vld.idx.msk [tilespmem:v1+s19+$0xFFFFFFB0 ss:$0x1], $0xffff  }
0x4b: {  	v4 =	vld.idx.msk [tilespmem:v1+s19+$0xFFFFFFC0 ss:$0x1], $0xffff  }
0x4c: {  	s31 =	sshll.u32 s13, $0xE;
	v2 =	vld.idx.msk [tilespmem:v1+s19+$0xFFFFFFD0 ss:$0x1], $0xffff  }
0x4d: {  	s17 =	sand.u32 $0x4000, s31;
	v3 =	vld.idx.msk [tilespmem:v1+s19+$0xFFFFFFE0 ss:$0x1], $0xffff;
	[tilespmem:v0+s19+$0x30 ss:$0x1] =	vst.idx.msk $0xffff, v6  }
0x4e: {  	s20 =	simm.s32 $0x400;
	s18 =	simm.s32 $0x80;
	s17 =	sor.u32 $0x8000, s17;
	[tilespmem:v0+s19+$0xFFFFFFC0 ss:$0x1] =	vst.idx.msk $0xffff, v8;
	v6 =	vld.idx.msk [tilespmem:v1+s19+$0xFFFFFFF0 ss:$0x1], $0xffff  }
.LBB1_3:
0x4f: {  	p0 =	sne.s32 s20, $0xFE00;
	v8 =	vld.idx.msk [tilespmem:v1+s18+$0x0 ss:$0x1], $0xffff;
	[tilespmem:v0+s19+$0xFFFFFFD0 ss:$0x1] =	vst.idx.msk $0xffff, v7  }
0x50: {  	v9 =	vld.idx.msk [tilespmem:v1+s18+$0xFFFFFF90 ss:$0x1], $0xffff;
	[tilespmem:v0+s19+$0xFFFFFFE0 ss:$0x1] =	vst.idx.msk $0xffff, v5  }
0x51: {  	v7 =	vld.idx.msk [tilespmem:v1+s18+$0xFFFFFFA0 ss:$0x1], $0xffff;
	[tilespmem:v0+s19+$0xFFFFFFF0 ss:$0x1] =	vst.idx.msk $0xffff, v4  }
.Ltmp3:
0x52: {  	v5 =	vld.idx.msk [tilespmem:v1+s18+$0xFFFFFFB0 ss:$0x1], $0xffff;
	[tilespmem:v0+s19+$0x0 ss:$0x1] =	vst.idx.msk $0xffff, v2;
	(pc) =	sbr.rel @p0 .LBB1_3-.Ltmp3, $4  }
0x53: {  	v4 =	vld.idx.msk [tilespmem:v1+s18+$0xFFFFFFC0 ss:$0x1], $0xffff;
	[tilespmem:v0+s19+$0x10 ss:$0x1] =	vst.idx.msk $0xffff, v3  }
0x54: {  	v2 =	vld.idx.msk [tilespmem:v1+s18+$0xFFFFFFD0 ss:$0x1], $0xffff;
	[tilespmem:v0+s19+$0x20 ss:$0x1] =	vst.idx.msk $0xffff, v6;
	s19 =	smov.u32 s18  }
0x55: {  	v3 =	vld.idx.msk [tilespmem:v1+s19+$0xFFFFFFE0 ss:$0x1], $0xffff;
	[tilespmem:v0+s19+$0x30 ss:$0x1] =	vst.idx.msk $0xffff, v8  }
0x56: {  	s18 =	sshra.s32 s20, $0x2;
	s20 =	sadd.s32 $0x200, s20;
	[tilespmem:v0+s19+$0xFFFFFFC0 ss:$0x1] =	vst.idx.msk $0xffff, v9;
	v6 =	vld.idx.msk [tilespmem:v1+s19+$0xFFFFFFF0 ss:$0x1], $0xffff  }
.Ltmp4:
0x57: {  	_ = 	snop;
	(pc) =	sbr.rel .LBB1_4-.Ltmp4, $1  }
0x58: {  	_ =	sdelay $0x3  }
.LBB1_6:
0x59: {  	_ =	sfence.sel $0x180000  }
0x5a: {  	s2 =	simm.s32 $0x1;
	[bflag:$0x0] =	sbarrier.arrive $0xFFFF  }
0x5b: {  	s31 =	simm.s32 $0x2;
	[sflag:s2] =	ssyncpa.u1 $0x1  }
0x5c: {  	[sflag:s31] =	ssyncpa.u1 $0x1  }
0x5d: {  	p0 =	sne.s32 s0, $0x0;
	_ =	strace $0x9000004A  }
0x5e: {  	s0 =	sadd.s32 @!p0 $0x100000, s1;
	[bflag:$0x2] =	sbarrier.arrive $0xFFFF  }
0x5f: {  	[sflag:s0] =	ssyncadd.tile.s32 @!p0 $0x1;
	_ =	shalt  }
.Lfunc_end1:
_tile_overlayer_lowered:
.L_overlay_start_2:
0x60: {  	(tag) =	ssettag $0x2  }
0x61: {  	s0 =	rddreg [dreg:$0x0];
	s2 =	stileid.u32  }
0x62: {  	s1 =	rddreg [dreg:$0x1];
	p0 =	sne.s32 s2, $0x0  }
0x63: {  	s3 =	rddreg [dreg:$0x2];
	[bflag:$0x3] =	sbarrier.arrive $0xFFFF;
	s2 =	simm.s32 @!p0 $0x1C01  }
0x64: {  	[timem:s3], [sflag:s2] =	dma.local @!p0 [hbm:s0], s1  }
0x65: {  	s0 =	simm.s32 @!p0 $0x1  }
0x66: {  	_ =	swait.ge @!p0 [sflag:s0], s1  }
0x67: {  	s1 =	ssub.s32 @!p0 $0x0, s1;
	[sflag:s0] =	ssyncset.done @!p0 $0x0  }
0x68: {  	[sflag:s0] =	ssyncadd.s32 @!p0 s1  }
0x69: {  	[bflag:$0x3] =	sbarrier.arrive $0xFFFF  }
0x6a: {  	_ =	shalt  }

</sc_bundles>
